<compile_context>
chip_gen: v7x
topology: tpu7x:2x2x1
jax: 0.10.2.dev20260603
libtpu: 0.0.44.dev20260713+nightly
codegen_flags: <defaults>
</compile_context>

<pallas_src>
import functools

import jax
import jax.numpy as jnp
from jax import lax
from jax.experimental import pallas as pl
from jax.experimental.pallas import tpu as pltpu
from jax.experimental.pallas import tpu_sc as plsc

_NC = 2
_NS = 16
_L = 16
_NW = _NC * _NS
_B = 16384
_D = 64
_BPW = _B // _NW
_CH = 128
_NCH = _BPW // _CH
_MARGIN = 1.0


def _sc_partials_body(ph, pr, pt, nh, nr, nt, ent, rel, out,
                      idx_h, idx_r, idx_t,
                      h_v, r_v, t_v, acc_v, sem):
    wid = lax.axis_index("s") * _NC + lax.axis_index("c")
    base = wid * _BPW

    def run_phase(ih, ir, it):
        for c in range(_NCH):
            src = pl.ds(base + c * _CH, _CH)
            pltpu.sync_copy(ih.at[src], idx_h.at[c])
            pltpu.sync_copy(ir.at[src], idx_r.at[c])
            pltpu.sync_copy(it.at[src], idx_t.at[c])

        copies = []
        for c in range(_NCH):
            dst = pl.ds(c * _CH, _CH)
            copies.append(pltpu.async_copy(ent.at[idx_h.at[c]], h_v.at[dst], sem))
            copies.append(pltpu.async_copy(rel.at[idx_r.at[c]], r_v.at[dst], sem))
            copies.append(pltpu.async_copy(ent.at[idx_t.at[c]], t_v.at[dst], sem))
        for cp in copies:
            cp.wait()

        def body(i, accs):
            new = []
            for j in range(_D // _L):
                sl = pl.ds(j * _L, _L)
                d = h_v[i, sl] + r_v[i, sl] - t_v[i, sl]
                new.append(accs[j] + jnp.abs(d))
            return tuple(new)

        zero = jnp.zeros((_L,), jnp.float32)
        accs = lax.fori_loop(0, _BPW, body, (zero,) * (_D // _L))
        total = accs[0]
        for a in accs[1:]:
            total = total + a
        return total

    pos_sum = run_phase(ph, pr, pt)
    neg_sum = run_phase(nh, nr, nt)

    acc_v[...] = neg_sum - pos_sum
    pltpu.sync_copy(acc_v, out.at[wid])


_sc_partials = functools.partial(
    pl.kernel,
    out_type=jax.ShapeDtypeStruct((_NW, _L), jnp.float32),
    mesh=plsc.VectorSubcoreMesh(
        core_axis_name="c", subcore_axis_name="s",
        num_cores=_NC, num_subcores=_NS),
    compiler_params=pltpu.CompilerParams(use_tc_tiling_on_sc=False),
    scratch_types=[
        pltpu.VMEM((_NCH, _CH), jnp.int32),
        pltpu.VMEM((_NCH, _CH), jnp.int32),
        pltpu.VMEM((_NCH, _CH), jnp.int32),
        pltpu.VMEM((_BPW, _D), jnp.float32),
        pltpu.VMEM((_BPW, _D), jnp.float32),
        pltpu.VMEM((_BPW, _D), jnp.float32),
        pltpu.VMEM((_L,), jnp.float32),
        pltpu.SemaphoreType.DMA,
    ],
)(_sc_partials_body)


def _combine_body(parts_ref, out_ref):
    s = jnp.sum(parts_ref[...])
    out_ref[...] = jnp.maximum(s + _MARGIN, 0.0).reshape(1, 1)


_combine = pl.pallas_call(
    _combine_body,
    out_shape=jax.ShapeDtypeStruct((1, 1), jnp.float32),
)


@jax.jit
def kernel(pos_exmpl, neg_exmpl, entities_embeddings, relation_embeddings):
    ph, pr, pt = pos_exmpl[0], pos_exmpl[1], pos_exmpl[2]
    nh, nr, nt = neg_exmpl[0], neg_exmpl[1], neg_exmpl[2]
    parts = _sc_partials(ph, pr, pt, nh, nr, nt,
                         entities_embeddings, relation_embeddings)
    return _combine(parts)[0, 0]

# --- scband reference (transcript-rebuilt; emitter-appended) ---
"""Pipeline reference for scband-trans-e-12618613915825 (READ-ONLY COPY).

The authoritative reference and input builder live on the scoring server;
editing this copy changes nothing except your own understanding.
"""

import jax, jax.numpy as jnp
import numpy as np

NUM_ENTITIES = 1000000
NUM_RELATIONS = 1000000
EMBED_DIM = 64
MARGIN = 1.0
BATCH = 16384


def setup_inputs(seed: int = 0) -> dict:
    key = jax.random.key(seed)
    k1, k2, k3, k4 = jax.random.split(key, 4)
    entities_embeddings = jax.random.normal(k1, (NUM_ENTITIES, EMBED_DIM), dtype=jnp.float32)
    relation_embeddings = jax.random.normal(k2, (NUM_RELATIONS, EMBED_DIM), dtype=jnp.float32)
    pos_exmpl = jax.random.randint(k3, (3, BATCH), 0, NUM_ENTITIES, dtype=jnp.int64 if jax.config.read('jax_enable_x64') else jnp.int32).astype(jnp.int32)
    neg_exmpl = jax.random.randint(k4, (3, BATCH), 0, NUM_ENTITIES, dtype=jnp.int64 if jax.config.read('jax_enable_x64') else jnp.int32).astype(jnp.int32)
    return {
        'pos_exmpl': pos_exmpl,
        'neg_exmpl': neg_exmpl,
        'entities_embeddings': entities_embeddings,
        'relation_embeddings': relation_embeddings,
    }


def _calc_score(h_emb, r_emb, t_emb):
    return -jnp.sum(jnp.abs(h_emb + r_emb - t_emb))


def reference(pos_exmpl, neg_exmpl, entities_embeddings, relation_embeddings):
    pos_h, pos_r, pos_t = pos_exmpl[0], pos_exmpl[1], pos_exmpl[2]
    neg_h, neg_r, neg_t = neg_exmpl[0], neg_exmpl[1], neg_exmpl[2]
    pos_h_emb = jnp.take(entities_embeddings, pos_h, axis=0)
    pos_r_emb = jnp.take(relation_embeddings, pos_r, axis=0)
    pos_t_emb = jnp.take(entities_embeddings, pos_t, axis=0)
    neg_h_emb = jnp.take(entities_embeddings, neg_h, axis=0)
    neg_r_emb = jnp.take(relation_embeddings, neg_r, axis=0)
    neg_t_emb = jnp.take(entities_embeddings, neg_t, axis=0)
    pos_score = _calc_score(pos_h_emb, pos_r_emb, pos_t_emb)
    neg_score = _calc_score(neg_h_emb, neg_r_emb, neg_t_emb)
    # MarginRankingLoss with y=-1, size_average=False on 1-element tensors:
    # loss = sum(max(0, -y*(x1 - x2) + margin)) = max(0, (pos - neg) + margin)
    loss = jnp.maximum(0.0, (pos_score - neg_score) + MARGIN)
    return loss

if __name__ == "__main__":
    import jax
    _d = setup_inputs()
    print(jax.jit(kernel)(*tuple(_d.values())))

</pallas_src>

<mosaic_0001>
#map = affine_map<(d0, d1) -> (0)>
#map1 = affine_map<(d0, d1) -> (0, 0)>
module attributes {stable_mosaic.version = 14 : i64} {
  func.func @_sc_partials_body(%arg0: i32, %arg1: i32, %arg2: memref<16384xi32, #tpu.memory_space<hbm>>, %arg3: memref<16384xi32, #tpu.memory_space<hbm>>, %arg4: memref<16384xi32, #tpu.memory_space<hbm>>, %arg5: memref<16384xi32, #tpu.memory_space<hbm>>, %arg6: memref<16384xi32, #tpu.memory_space<hbm>>, %arg7: memref<16384xi32, #tpu.memory_space<hbm>>, %arg8: memref<1000000x64xf32, #tpu.memory_space<hbm>>, %arg9: memref<1000000x64xf32, #tpu.memory_space<hbm>>, %arg10: memref<32x16xf32, #tpu.memory_space<hbm>>, %arg11: memref<4x128xi32, #tpu.memory_space<vmem>>, %arg12: memref<4x128xi32, #tpu.memory_space<vmem>>, %arg13: memref<4x128xi32, #tpu.memory_space<vmem>>, %arg14: memref<512x64xf32, #tpu.memory_space<vmem>>, %arg15: memref<512x64xf32, #tpu.memory_space<vmem>>, %arg16: memref<512x64xf32, #tpu.memory_space<vmem>>, %arg17: memref<16xf32, #tpu.memory_space<vmem>>, %arg18: memref<!tpu.dma_semaphore, #tpu.memory_space<semaphore_mem>>) attributes {dimension_semantics = [#tpu.dimension_semantics<core_parallel>, #tpu.dimension_semantics<subcore_parallel>], iteration_bounds = array<i64: 2, 16>, scalar_prefetch = 0 : i64, scratch_operands = 8 : i64, tpu.core_type = #tpu.core_type<sc_vector_subcore>, window_params = [{transform_indices = #map}, {transform_indices = #map}, {transform_indices = #map}, {transform_indices = #map}, {transform_indices = #map}, {transform_indices = #map}, {transform_indices = #map1}, {transform_indices = #map1}, {transform_indices = #map1}]} {
    %mul3A = arith.constant 2 : i32
    %mul3A_0 = arith.muli %arg1, %mul3A : i32
    %add3A = arith.addi %mul3A_0, %arg0 : i32
    %mul3A_1 = arith.constant 512 : i32
    %mul3A_2 = arith.muli %add3A, %mul3A_1 : i32
    %add3A_3 = arith.constant 0 : i32
    %add3A_4 = arith.addi %mul3A_2, %add3A_3 : i32
    %run_scoped3A = arith.constant 0 : i32
    "tpu.region"() ({
      %run_scoped3A_543 = tpu.sem_alloc : memref<!tpu.dma_semaphore, #tpu.memory_space<semaphore_mem>>
      %dma_start3A_544 = arith.constant 0 : i32
      %dma_start3A_545 = tpu.memref_slice %arg11[%run_scoped3A, %dma_start3A_544] : memref<4x128xi32, #tpu.memory_space<vmem>> -> memref<1x128xi32, #tpu.memory_space<vmem>>
      %dma_start3A_546 = tpu.memref_squeeze %dma_start3A_545 : memref<1x128xi32, #tpu.memory_space<vmem>> -> memref<128xi32, #tpu.memory_space<vmem>>
      %dma_start3A_547 = tpu.memref_slice %arg2[%add3A_4] : memref<16384xi32, #tpu.memory_space<hbm>> -> memref<128xi32, #tpu.memory_space<hbm>>
      %dma_start3A_548 = arith.constant 0 : i32
      %dma_start3A_549 = tpu.memref_slice %arg11[%run_scoped3A, %dma_start3A_548] : memref<4x128xi32, #tpu.memory_space<vmem>> -> memref<1x128xi32, #tpu.memory_space<vmem>>
      %dma_start3A_550 = tpu.memref_squeeze %dma_start3A_549 : memref<1x128xi32, #tpu.memory_space<vmem>> -> memref<128xi32, #tpu.memory_space<vmem>>
      %dma_start3A_551 = tpu.memref_slice %arg2[%add3A_4] : memref<16384xi32, #tpu.memory_space<hbm>> -> memref<128xi32, #tpu.memory_space<hbm>>
      tpu.enqueue_dma source(%dma_start3A_551 : memref<128xi32, #tpu.memory_space<hbm>>) target(%dma_start3A_550 : memref<128xi32, #tpu.memory_space<vmem>>) target_semaphore(%run_scoped3A_543 : memref<!tpu.dma_semaphore, #tpu.memory_space<semaphore_mem>>)
      %dma_wait3A_552 = arith.constant 0 : i32
      %dma_wait3A_553 = tpu.memref_slice %arg11[%run_scoped3A, %dma_wait3A_552] : memref<4x128xi32, #tpu.memory_space<vmem>> -> memref<1x128xi32, #tpu.memory_space<vmem>>
      %dma_wait3A_554 = tpu.memref_squeeze %dma_wait3A_553 : memref<1x128xi32, #tpu.memory_space<vmem>> -> memref<128xi32, #tpu.memory_space<vmem>>
      %dma_wait3A_555 = tpu.memref_slice %arg2[%add3A_4] : memref<16384xi32, #tpu.memory_space<hbm>> -> memref<128xi32, #tpu.memory_space<hbm>>
      %dma_wait3A_556 = arith.constant 0 : i32
      %dma_wait3A_557 = tpu.memref_slice %arg11[%run_scoped3A, %dma_wait3A_556] : memref<4x128xi32, #tpu.memory_space<vmem>> -> memref<1x128xi32, #tpu.memory_space<vmem>>
      %dma_wait3A_558 = tpu.memref_squeeze %dma_wait3A_557 : memref<1x128xi32, #tpu.memory_space<vmem>> -> memref<128xi32, #tpu.memory_space<vmem>>
      %dma_wait3A_559 = tpu.memref_slice %arg2[%add3A_4] : memref<16384xi32, #tpu.memory_space<hbm>> -> memref<128xi32, #tpu.memory_space<hbm>>
      tpu.wait_dma2 semaphore(%run_scoped3A_543 : memref<!tpu.dma_semaphore, #tpu.memory_space<semaphore_mem>>) src(%dma_wait3A_559 : memref<128xi32, #tpu.memory_space<hbm>>) dst(%dma_wait3A_558 : memref<128xi32, #tpu.memory_space<vmem>>)
      tpu.yield
    }) : () -> ()
    %run_scoped3A_5 = arith.constant 0 : i32
    "tpu.region"() ({
      %run_scoped3A_543 = tpu.sem_alloc : memref<!tpu.dma_semaphore, #tpu.memory_space<semaphore_mem>>
      %dma_start3A_544 = arith.constant 0 : i32
      %dma_start3A_545 = tpu.memref_slice %arg12[%run_scoped3A_5, %dma_start3A_544] : memref<4x128xi32, #tpu.memory_space<vmem>> -> memref<1x128xi32, #tpu.memory_space<vmem>>
      %dma_start3A_546 = tpu.memref_squeeze %dma_start3A_545 : memref<1x128xi32, #tpu.memory_space<vmem>> -> memref<128xi32, #tpu.memory_space<vmem>>
      %dma_start3A_547 = tpu.memref_slice %arg3[%add3A_4] : memref<16384xi32, #tpu.memory_space<hbm>> -> memref<128xi32, #tpu.memory_space<hbm>>
      %dma_start3A_548 = arith.constant 0 : i32
      %dma_start3A_549 = tpu.memref_slice %arg12[%run_scoped3A_5, %dma_start3A_548] : memref<4x128xi32, #tpu.memory_space<vmem>> -> memref<1x128xi32, #tpu.memory_space<vmem>>
      %dma_start3A_550 = tpu.memref_squeeze %dma_start3A_549 : memref<1x128xi32, #tpu.memory_space<vmem>> -> memref<128xi32, #tpu.memory_space<vmem>>
      %dma_start3A_551 = tpu.memref_slice %arg3[%add3A_4] : memref<16384xi32, #tpu.memory_space<hbm>> -> memref<128xi32, #tpu.memory_space<hbm>>
      tpu.enqueue_dma source(%dma_start3A_551 : memref<128xi32, #tpu.memory_space<hbm>>) target(%dma_start3A_550 : memref<128xi32, #tpu.memory_space<vmem>>) target_semaphore(%run_scoped3A_543 : memref<!tpu.dma_semaphore, #tpu.memory_space<semaphore_mem>>)
      %dma_wait3A_552 = arith.constant 0 : i32
      %dma_wait3A_553 = tpu.memref_slice %arg12[%run_scoped3A_5, %dma_wait3A_552] : memref<4x128xi32, #tpu.memory_space<vmem>> -> memref<1x128xi32, #tpu.memory_space<vmem>>
      %dma_wait3A_554 = tpu.memref_squeeze %dma_wait3A_553 : memref<1x128xi32, #tpu.memory_space<vmem>> -> memref<128xi32, #tpu.memory_space<vmem>>
      %dma_wait3A_555 = tpu.memref_slice %arg3[%add3A_4] : memref<16384xi32, #tpu.memory_space<hbm>> -> memref<128xi32, #tpu.memory_space<hbm>>
      %dma_wait3A_556 = arith.constant 0 : i32
      %dma_wait3A_557 = tpu.memref_slice %arg12[%run_scoped3A_5, %dma_wait3A_556] : memref<4x128xi32, #tpu.memory_space<vmem>> -> memref<1x128xi32, #tpu.memory_space<vmem>>
      %dma_wait3A_558 = tpu.memref_squeeze %dma_wait3A_557 : memref<1x128xi32, #tpu.memory_space<vmem>> -> memref<128xi32, #tpu.memory_space<vmem>>
      %dma_wait3A_559 = tpu.memref_slice %arg3[%add3A_4] : memref<16384xi32, #tpu.memory_space<hbm>> -> memref<128xi32, #tpu.memory_space<hbm>>
      tpu.wait_dma2 semaphore(%run_scoped3A_543 : memref<!tpu.dma_semaphore, #tpu.memory_space<semaphore_mem>>) src(%dma_wait3A_559 : memref<128xi32, #tpu.memory_space<hbm>>) dst(%dma_wait3A_558 : memref<128xi32, #tpu.memory_space<vmem>>)
      tpu.yield
    }) : () -> ()
    %run_scoped3A_6 = arith.constant 0 : i32
    "tpu.region"() ({
      %run_scoped3A_543 = tpu.sem_alloc : memref<!tpu.dma_semaphore, #tpu.memory_space<semaphore_mem>>
      %dma_start3A_544 = arith.constant 0 : i32
      %dma_start3A_545 = tpu.memref_slice %arg13[%run_scoped3A_6, %dma_start3A_544] : memref<4x128xi32, #tpu.memory_space<vmem>> -> memref<1x128xi32, #tpu.memory_space<vmem>>
      %dma_start3A_546 = tpu.memref_squeeze %dma_start3A_545 : memref<1x128xi32, #tpu.memory_space<vmem>> -> memref<128xi32, #tpu.memory_space<vmem>>
      %dma_start3A_547 = tpu.memref_slice %arg4[%add3A_4] : memref<16384xi32, #tpu.memory_space<hbm>> -> memref<128xi32, #tpu.memory_space<hbm>>
      %dma_start3A_548 = arith.constant 0 : i32
      %dma_start3A_549 = tpu.memref_slice %arg13[%run_scoped3A_6, %dma_start3A_548] : memref<4x128xi32, #tpu.memory_space<vmem>> -> memref<1x128xi32, #tpu.memory_space<vmem>>
      %dma_start3A_550 = tpu.memref_squeeze %dma_start3A_549 : memref<1x128xi32, #tpu.memory_space<vmem>> -> memref<128xi32, #tpu.memory_space<vmem>>
      %dma_start3A_551 = tpu.memref_slice %arg4[%add3A_4] : memref<16384xi32, #tpu.memory_space<hbm>> -> memref<128xi32, #tpu.memory_space<hbm>>
      tpu.enqueue_dma source(%dma_start3A_551 : memref<128xi32, #tpu.memory_space<hbm>>) target(%dma_start3A_550 : memref<128xi32, #tpu.memory_space<vmem>>) target_semaphore(%run_scoped3A_543 : memref<!tpu.dma_semaphore, #tpu.memory_space<semaphore_mem>>)
      %dma_wait3A_552 = arith.constant 0 : i32
      %dma_wait3A_553 = tpu.memref_slice %arg13[%run_scoped3A_6, %dma_wait3A_552] : memref<4x128xi32, #tpu.memory_space<vmem>> -> memref<1x128xi32, #tpu.memory_space<vmem>>
      %dma_wait3A_554 = tpu.memref_squeeze %dma_wait3A_553 : memref<1x128xi32, #tpu.memory_space<vmem>> -> memref<128xi32, #tpu.memory_space<vmem>>
      %dma_wait3A_555 = tpu.memref_slice %arg4[%add3A_4] : memref<16384xi32, #tpu.memory_space<hbm>> -> memref<128xi32, #tpu.memory_space<hbm>>
      %dma_wait3A_556 = arith.constant 0 : i32
      %dma_wait3A_557 = tpu.memref_slice %arg13[%run_scoped3A_6, %dma_wait3A_556] : memref<4x128xi32, #tpu.memory_space<vmem>> -> memref<1x128xi32, #tpu.memory_space<vmem>>
      %dma_wait3A_558 = tpu.memref_squeeze %dma_wait3A_557 : memref<1x128xi32, #tpu.memory_space<vmem>> -> memref<128xi32, #tpu.memory_space<vmem>>
      %dma_wait3A_559 = tpu.memref_slice %arg4[%add3A_4] : memref<16384xi32, #tpu.memory_space<hbm>> -> memref<128xi32, #tpu.memory_space<hbm>>
      tpu.wait_dma2 semaphore(%run_scoped3A_543 : memref<!tpu.dma_semaphore, #tpu.memory_space<semaphore_mem>>) src(%dma_wait3A_559 : memref<128xi32, #tpu.memory_space<hbm>>) dst(%dma_wait3A_558 : memref<128xi32, #tpu.memory_space<vmem>>)
      tpu.yield
    }) : () -> ()
    %add3A_7 = arith.constant 128 : i32
    %add3A_8 = arith.addi %mul3A_2, %add3A_7 : i32
    %run_scoped3A_9 = arith.constant 1 : i32
    "tpu.region"() ({
      %run_scoped3A_543 = tpu.sem_alloc : memref<!tpu.dma_semaphore, #tpu.memory_space<semaphore_mem>>
      %dma_start3A_544 = arith.constant 0 : i32
      %dma_start3A_545 = tpu.memref_slice %arg11[%run_scoped3A_9, %dma_start3A_544] : memref<4x128xi32, #tpu.memory_space<vmem>> -> memref<1x128xi32, #tpu.memory_space<vmem>>
      %dma_start3A_546 = tpu.memref_squeeze %dma_start3A_545 : memref<1x128xi32, #tpu.memory_space<vmem>> -> memref<128xi32, #tpu.memory_space<vmem>>
      %dma_start3A_547 = tpu.memref_slice %arg2[%add3A_8] : memref<16384xi32, #tpu.memory_space<hbm>> -> memref<128xi32, #tpu.memory_space<hbm>>
      %dma_start3A_548 = arith.constant 0 : i32
      %dma_start3A_549 = tpu.memref_slice %arg11[%run_scoped3A_9, %dma_start3A_548] : memref<4x128xi32, #tpu.memory_space<vmem>> -> memref<1x128xi32, #tpu.memory_space<vmem>>
      %dma_start3A_550 = tpu.memref_squeeze %dma_start3A_549 : memref<1x128xi32, #tpu.memory_space<vmem>> -> memref<128xi32, #tpu.memory_space<vmem>>
      %dma_start3A_551 = tpu.memref_slice %arg2[%add3A_8] : memref<16384xi32, #tpu.memory_space<hbm>> -> memref<128xi32, #tpu.memory_space<hbm>>
      tpu.enqueue_dma source(%dma_start3A_551 : memref<128xi32, #tpu.memory_space<hbm>>) target(%dma_start3A_550 : memref<128xi32, #tpu.memory_space<vmem>>) target_semaphore(%run_scoped3A_543 : memref<!tpu.dma_semaphore, #tpu.memory_space<semaphore_mem>>)
      %dma_wait3A_552 = arith.constant 0 : i32
      %dma_wait3A_553 = tpu.memref_slice %arg11[%run_scoped3A_9, %dma_wait3A_552] : memref<4x128xi32, #tpu.memory_space<vmem>> -> memref<1x128xi32, #tpu.memory_space<vmem>>
      %dma_wait3A_554 = tpu.memref_squeeze %dma_wait3A_553 : memref<1x128xi32, #tpu.memory_space<vmem>> -> memref<128xi32, #tpu.memory_space<vmem>>
      %dma_wait3A_555 = tpu.memref_slice %arg2[%add3A_8] : memref<16384xi32, #tpu.memory_space<hbm>> -> memref<128xi32, #tpu.memory_space<hbm>>
      %dma_wait3A_556 = arith.constant 0 : i32
      %dma_wait3A_557 = tpu.memref_slice %arg11[%run_scoped3A_9, %dma_wait3A_556] : memref<4x128xi32, #tpu.memory_space<vmem>> -> memref<1x128xi32, #tpu.memory_space<vmem>>
      %dma_wait3A_558 = tpu.memref_squeeze %dma_wait3A_557 : memref<1x128xi32, #tpu.memory_space<vmem>> -> memref<128xi32, #tpu.memory_space<vmem>>
      %dma_wait3A_559 = tpu.memref_slice %arg2[%add3A_8] : memref<16384xi32, #tpu.memory_space<hbm>> -> memref<128xi32, #tpu.memory_space<hbm>>
      tpu.wait_dma2 semaphore(%run_scoped3A_543 : memref<!tpu.dma_semaphore, #tpu.memory_space<semaphore_mem>>) src(%dma_wait3A_559 : memref<128xi32, #tpu.memory_space<hbm>>) dst(%dma_wait3A_558 : memref<128xi32, #tpu.memory_space<vmem>>)
      tpu.yield
    }) : () -> ()
    %run_scoped3A_10 = arith.constant 1 : i32
    "tpu.region"() ({
      %run_scoped3A_543 = tpu.sem_alloc : memref<!tpu.dma_semaphore, #tpu.memory_space<semaphore_mem>>
      %dma_start3A_544 = arith.constant 0 : i32
      %dma_start3A_545 = tpu.memref_slice %arg12[%run_scoped3A_10, %dma_start3A_544] : memref<4x128xi32, #tpu.memory_space<vmem>> -> memref<1x128xi32, #tpu.memory_space<vmem>>
      %dma_start3A_546 = tpu.memref_squeeze %dma_start3A_545 : memref<1x128xi32, #tpu.memory_space<vmem>> -> memref<128xi32, #tpu.memory_space<vmem>>
      %dma_start3A_547 = tpu.memref_slice %arg3[%add3A_8] : memref<16384xi32, #tpu.memory_space<hbm>> -> memref<128xi32, #tpu.memory_space<hbm>>
      %dma_start3A_548 = arith.constant 0 : i32
      %dma_start3A_549 = tpu.memref_slice %arg12[%run_scoped3A_10, %dma_start3A_548] : memref<4x128xi32, #tpu.memory_space<vmem>> -> memref<1x128xi32, #tpu.memory_space<vmem>>
      %dma_start3A_550 = tpu.memref_squeeze %dma_start3A_549 : memref<1x128xi32, #tpu.memory_space<vmem>> -> memref<128xi32, #tpu.memory_space<vmem>>
      %dma_start3A_551 = tpu.memref_slice %arg3[%add3A_8] : memref<16384xi32, #tpu.memory_space<hbm>> -> memref<128xi32, #tpu.memory_space<hbm>>
      tpu.enqueue_dma source(%dma_start3A_551 : memref<128xi32, #tpu.memory_space<hbm>>) target(%dma_start3A_550 : memref<128xi32, #tpu.memory_space<vmem>>) target_semaphore(%run_scoped3A_543 : memref<!tpu.dma_semaphore, #tpu.memory_space<semaphore_mem>>)
      %dma_wait3A_552 = arith.constant 0 : i32
      %dma_wait3A_553 = tpu.memref_slice %arg12[%run_scoped3A_10, %dma_wait3A_552] : memref<4x128xi32, #tpu.memory_space<vmem>> -> memref<1x128xi32, #tpu.memory_space<vmem>>
      %dma_wait3A_554 = tpu.memref_squeeze %dma_wait3A_553 : memref<1x128xi32, #tpu.memory_space<vmem>> -> memref<128xi32, #tpu.memory_space<vmem>>
      %dma_wait3A_555 = tpu.memref_slice %arg3[%add3A_8] : memref<16384xi32, #tpu.memory_space<hbm>> -> memref<128xi32, #tpu.memory_space<hbm>>
      %dma_wait3A_556 = arith.constant 0 : i32
      %dma_wait3A_557 = tpu.memref_slice %arg12[%run_scoped3A_10, %dma_wait3A_556] : memref<4x128xi32, #tpu.memory_space<vmem>> -> memref<1x128xi32, #tpu.memory_space<vmem>>
      %dma_wait3A_558 = tpu.memref_squeeze %dma_wait3A_557 : memref<1x128xi32, #tpu.memory_space<vmem>> -> memref<128xi32, #tpu.memory_space<vmem>>
      %dma_wait3A_559 = tpu.memref_slice %arg3[%add3A_8] : memref<16384xi32, #tpu.memory_space<hbm>> -> memref<128xi32, #tpu.memory_space<hbm>>
      tpu.wait_dma2 semaphore(%run_scoped3A_543 : memref<!tpu.dma_semaphore, #tpu.memory_space<semaphore_mem>>) src(%dma_wait3A_559 : memref<128xi32, #tpu.memory_space<hbm>>) dst(%dma_wait3A_558 : memref<128xi32, #tpu.memory_space<vmem>>)
      tpu.yield
    }) : () -> ()
    %run_scoped3A_11 = arith.constant 1 : i32
    "tpu.region"() ({
      %run_scoped3A_543 = tpu.sem_alloc : memref<!tpu.dma_semaphore, #tpu.memory_space<semaphore_mem>>
      %dma_start3A_544 = arith.constant 0 : i32
      %dma_start3A_545 = tpu.memref_slice %arg13[%run_scoped3A_11, %dma_start3A_544] : memref<4x128xi32, #tpu.memory_space<vmem>> -> memref<1x128xi32, #tpu.memory_space<vmem>>
      %dma_start3A_546 = tpu.memref_squeeze %dma_start3A_545 : memref<1x128xi32, #tpu.memory_space<vmem>> -> memref<128xi32, #tpu.memory_space<vmem>>
      %dma_start3A_547 = tpu.memref_slice %arg4[%add3A_8] : memref<16384xi32, #tpu.memory_space<hbm>> -> memref<128xi32, #tpu.memory_space<hbm>>
      %dma_start3A_548 = arith.constant 0 : i32
      %dma_start3A_549 = tpu.memref_slice %arg13[%run_scoped3A_11, %dma_start3A_548] : memref<4x128xi32, #tpu.memory_space<vmem>> -> memref<1x128xi32, #tpu.memory_space<vmem>>
      %dma_start3A_550 = tpu.memref_squeeze %dma_start3A_549 : memref<1x128xi32, #tpu.memory_space<vmem>> -> memref<128xi32, #tpu.memory_space<vmem>>
      %dma_start3A_551 = tpu.memref_slice %arg4[%add3A_8] : memref<16384xi32, #tpu.memory_space<hbm>> -> memref<128xi32, #tpu.memory_space<hbm>>
      tpu.enqueue_dma source(%dma_start3A_551 : memref<128xi32, #tpu.memory_space<hbm>>) target(%dma_start3A_550 : memref<128xi32, #tpu.memory_space<vmem>>) target_semaphore(%run_scoped3A_543 : memref<!tpu.dma_semaphore, #tpu.memory_space<semaphore_mem>>)
      %dma_wait3A_552 = arith.constant 0 : i32
      %dma_wait3A_553 = tpu.memref_slice %arg13[%run_scoped3A_11, %dma_wait3A_552] : memref<4x128xi32, #tpu.memory_space<vmem>> -> memref<1x128xi32, #tpu.memory_space<vmem>>
      %dma_wait3A_554 = tpu.memref_squeeze %dma_wait3A_553 : memref<1x128xi32, #tpu.memory_space<vmem>> -> memref<128xi32, #tpu.memory_space<vmem>>
      %dma_wait3A_555 = tpu.memref_slice %arg4[%add3A_8] : memref<16384xi32, #tpu.memory_space<hbm>> -> memref<128xi32, #tpu.memory_space<hbm>>
      %dma_wait3A_556 = arith.constant 0 : i32
      %dma_wait3A_557 = tpu.memref_slice %arg13[%run_scoped3A_11, %dma_wait3A_556] : memref<4x128xi32, #tpu.memory_space<vmem>> -> memref<1x128xi32, #tpu.memory_space<vmem>>
      %dma_wait3A_558 = tpu.memref_squeeze %dma_wait3A_557 : memref<1x128xi32, #tpu.memory_space<vmem>> -> memref<128xi32, #tpu.memory_space<vmem>>
      %dma_wait3A_559 = tpu.memref_slice %arg4[%add3A_8] : memref<16384xi32, #tpu.memory_space<hbm>> -> memref<128xi32, #tpu.memory_space<hbm>>
      tpu.wait_dma2 semaphore(%run_scoped3A_543 : memref<!tpu.dma_semaphore, #tpu.memory_space<semaphore_mem>>) src(%dma_wait3A_559 : memref<128xi32, #tpu.memory_space<hbm>>) dst(%dma_wait3A_558 : memref<128xi32, #tpu.memory_space<vmem>>)
      tpu.yield
    }) : () -> ()
    %add3A_12 = arith.constant 256 : i32
    %add3A_13 = arith.addi %mul3A_2, %add3A_12 : i32
    %run_scoped3A_14 = arith.constant 2 : i32
    "tpu.region"() ({
      %run_scoped3A_543 = tpu.sem_alloc : memref<!tpu.dma_semaphore, #tpu.memory_space<semaphore_mem>>
      %dma_start3A_544 = arith.constant 0 : i32
      %dma_start3A_545 = tpu.memref_slice %arg11[%run_scoped3A_14, %dma_start3A_544] : memref<4x128xi32, #tpu.memory_space<vmem>> -> memref<1x128xi32, #tpu.memory_space<vmem>>
      %dma_start3A_546 = tpu.memref_squeeze %dma_start3A_545 : memref<1x128xi32, #tpu.memory_space<vmem>> -> memref<128xi32, #tpu.memory_space<vmem>>
      %dma_start3A_547 = tpu.memref_slice %arg2[%add3A_13] : memref<16384xi32, #tpu.memory_space<hbm>> -> memref<128xi32, #tpu.memory_space<hbm>>
      %dma_start3A_548 = arith.constant 0 : i32
      %dma_start3A_549 = tpu.memref_slice %arg11[%run_scoped3A_14, %dma_start3A_548] : memref<4x128xi32, #tpu.memory_space<vmem>> -> memref<1x128xi32, #tpu.memory_space<vmem>>
      %dma_start3A_550 = tpu.memref_squeeze %dma_start3A_549 : memref<1x128xi32, #tpu.memory_space<vmem>> -> memref<128xi32, #tpu.memory_space<vmem>>
      %dma_start3A_551 = tpu.memref_slice %arg2[%add3A_13] : memref<16384xi32, #tpu.memory_space<hbm>> -> memref<128xi32, #tpu.memory_space<hbm>>
      tpu.enqueue_dma source(%dma_start3A_551 : memref<128xi32, #tpu.memory_space<hbm>>) target(%dma_start3A_550 : memref<128xi32, #tpu.memory_space<vmem>>) target_semaphore(%run_scoped3A_543 : memref<!tpu.dma_semaphore, #tpu.memory_space<semaphore_mem>>)
      %dma_wait3A_552 = arith.constant 0 : i32
      %dma_wait3A_553 = tpu.memref_slice %arg11[%run_scoped3A_14, %dma_wait3A_552] : memref<4x128xi32, #tpu.memory_space<vmem>> -> memref<1x128xi32, #tpu.memory_space<vmem>>
      %dma_wait3A_554 = tpu.memref_squeeze %dma_wait3A_553 : memref<1x128xi32, #tpu.memory_space<vmem>> -> memref<128xi32, #tpu.memory_space<vmem>>
      %dma_wait3A_555 = tpu.memref_slice %arg2[%add3A_13] : memref<16384xi32, #tpu.memory_space<hbm>> -> memref<128xi32, #tpu.memory_space<hbm>>
      %dma_wait3A_556 = arith.constant 0 : i32
      %dma_wait3A_557 = tpu.memref_slice %arg11[%run_scoped3A_14, %dma_wait3A_556] : memref<4x128xi32, #tpu.memory_space<vmem>> -> memref<1x128xi32, #tpu.memory_space<vmem>>
      %dma_wait3A_558 = tpu.memref_squeeze %dma_wait3A_557 : memref<1x128xi32, #tpu.memory_space<vmem>> -> memref<128xi32, #tpu.memory_space<vmem>>
      %dma_wait3A_559 = tpu.memref_slice %arg2[%add3A_13] : memref<16384xi32, #tpu.memory_space<hbm>> -> memref<128xi32, #tpu.memory_space<hbm>>
      tpu.wait_dma2 semaphore(%run_scoped3A_543 : memref<!tpu.dma_semaphore, #tpu.memory_space<semaphore_mem>>) src(%dma_wait3A_559 : memref<128xi32, #tpu.memory_space<hbm>>) dst(%dma_wait3A_558 : memref<128xi32, #tpu.memory_space<vmem>>)
      tpu.yield
    }) : () -> ()
    %run_scoped3A_15 = arith.constant 2 : i32
    "tpu.region"() ({
      %run_scoped3A_543 = tpu.sem_alloc : memref<!tpu.dma_semaphore, #tpu.memory_space<semaphore_mem>>
      %dma_start3A_544 = arith.constant 0 : i32
      %dma_start3A_545 = tpu.memref_slice %arg12[%run_scoped3A_15, %dma_start3A_544] : memref<4x128xi32, #tpu.memory_space<vmem>> -> memref<1x128xi32, #tpu.memory_space<vmem>>
      %dma_start3A_546 = tpu.memref_squeeze %dma_start3A_545 : memref<1x128xi32, #tpu.memory_space<vmem>> -> memref<128xi32, #tpu.memory_space<vmem>>
      %dma_start3A_547 = tpu.memref_slice %arg3[%add3A_13] : memref<16384xi32, #tpu.memory_space<hbm>> -> memref<128xi32, #tpu.memory_space<hbm>>
      %dma_start3A_548 = arith.constant 0 : i32
      %dma_start3A_549 = tpu.memref_slice %arg12[%run_scoped3A_15, %dma_start3A_548] : memref<4x128xi32, #tpu.memory_space<vmem>> -> memref<1x128xi32, #tpu.memory_space<vmem>>
      %dma_start3A_550 = tpu.memref_squeeze %dma_start3A_549 : memref<1x128xi32, #tpu.memory_space<vmem>> -> memref<128xi32, #tpu.memory_space<vmem>>
      %dma_start3A_551 = tpu.memref_slice %arg3[%add3A_13] : memref<16384xi32, #tpu.memory_space<hbm>> -> memref<128xi32, #tpu.memory_space<hbm>>
      tpu.enqueue_dma source(%dma_start3A_551 : memref<128xi32, #tpu.memory_space<hbm>>) target(%dma_start3A_550 : memref<128xi32, #tpu.memory_space<vmem>>) target_semaphore(%run_scoped3A_543 : memref<!tpu.dma_semaphore, #tpu.memory_space<semaphore_mem>>)
      %dma_wait3A_552 = arith.constant 0 : i32
      %dma_wait3A_553 = tpu.memref_slice %arg12[%run_scoped3A_15, %dma_wait3A_552] : memref<4x128xi32, #tpu.memory_space<vmem>> -> memref<1x128xi32, #tpu.memory_space<vmem>>
      %dma_wait3A_554 = tpu.memref_squeeze %dma_wait3A_553 : memref<1x128xi32, #tpu.memory_space<vmem>> -> memref<128xi32, #tpu.memory_space<vmem>>
      %dma_wait3A_555 = tpu.memref_slice %arg3[%add3A_13] : memref<16384xi32, #tpu.memory_space<hbm>> -> memref<128xi32, #tpu.memory_space<hbm>>
      %dma_wait3A_556 = arith.constant 0 : i32
      %dma_wait3A_557 = tpu.memref_slice %arg12[%run_scoped3A_15, %dma_wait3A_556] : memref<4x128xi32, #tpu.memory_space<vmem>> -> memref<1x128xi32, #tpu.memory_space<vmem>>
      %dma_wait3A_558 = tpu.memref_squeeze %dma_wait3A_557 : memref<1x128xi32, #tpu.memory_space<vmem>> -> memref<128xi32, #tpu.memory_space<vmem>>
      %dma_wait3A_559 = tpu.memref_slice %arg3[%add3A_13] : memref<16384xi32, #tpu.memory_space<hbm>> -> memref<128xi32, #tpu.memory_space<hbm>>
      tpu.wait_dma2 semaphore(%run_scoped3A_543 : memref<!tpu.dma_semaphore, #tpu.memory_space<semaphore_mem>>) src(%dma_wait3A_559 : memref<128xi32, #tpu.memory_space<hbm>>) dst(%dma_wait3A_558 : memref<128xi32, #tpu.memory_space<vmem>>)
      tpu.yield
    }) : () -> ()
    %run_scoped3A_16 = arith.constant 2 : i32
    "tpu.region"() ({
      %run_scoped3A_543 = tpu.sem_alloc : memref<!tpu.dma_semaphore, #tpu.memory_space<semaphore_mem>>
      %dma_start3A_544 = arith.constant 0 : i32
      %dma_start3A_545 = tpu.memref_slice %arg13[%run_scoped3A_16, %dma_start3A_544] : memref<4x128xi32, #tpu.memory_space<vmem>> -> memref<1x128xi32, #tpu.memory_space<vmem>>
      %dma_start3A_546 = tpu.memref_squeeze %dma_start3A_545 : memref<1x128xi32, #tpu.memory_space<vmem>> -> memref<128xi32, #tpu.memory_space<vmem>>
      %dma_start3A_547 = tpu.memref_slice %arg4[%add3A_13] : memref<16384xi32, #tpu.memory_space<hbm>> -> memref<128xi32, #tpu.memory_space<hbm>>
      %dma_start3A_548 = arith.constant 0 : i32
      %dma_start3A_549 = tpu.memref_slice %arg13[%run_scoped3A_16, %dma_start3A_548] : memref<4x128xi32, #tpu.memory_space<vmem>> -> memref<1x128xi32, #tpu.memory_space<vmem>>
      %dma_start3A_550 = tpu.memref_squeeze %dma_start3A_549 : memref<1x128xi32, #tpu.memory_space<vmem>> -> memref<128xi32, #tpu.memory_space<vmem>>
      %dma_start3A_551 = tpu.memref_slice %arg4[%add3A_13] : memref<16384xi32, #tpu.memory_space<hbm>> -> memref<128xi32, #tpu.memory_space<hbm>>
      tpu.enqueue_dma source(%dma_start3A_551 : memref<128xi32, #tpu.memory_space<hbm>>) target(%dma_start3A_550 : memref<128xi32, #tpu.memory_space<vmem>>) target_semaphore(%run_scoped3A_543 : memref<!tpu.dma_semaphore, #tpu.memory_space<semaphore_mem>>)
      %dma_wait3A_552 = arith.constant 0 : i32
      %dma_wait3A_553 = tpu.memref_slice %arg13[%run_scoped3A_16, %dma_wait3A_552] : memref<4x128xi32, #tpu.memory_space<vmem>> -> memref<1x128xi32, #tpu.memory_space<vmem>>
      %dma_wait3A_554 = tpu.memref_squeeze %dma_wait3A_553 : memref<1x128xi32, #tpu.memory_space<vmem>> -> memref<128xi32, #tpu.memory_space<vmem>>
      %dma_wait3A_555 = tpu.memref_slice %arg4[%add3A_13] : memref<16384xi32, #tpu.memory_space<hbm>> -> memref<128xi32, #tpu.memory_space<hbm>>
      %dma_wait3A_556 = arith.constant 0 : i32
      %dma_wait3A_557 = tpu.memref_slice %arg13[%run_scoped3A_16, %dma_wait3A_556] : memref<4x128xi32, #tpu.memory_space<vmem>> -> memref<1x128xi32, #tpu.memory_space<vmem>>
      %dma_wait3A_558 = tpu.memref_squeeze %dma_wait3A_557 : memref<1x128xi32, #tpu.memory_space<vmem>> -> memref<128xi32, #tpu.memory_space<vmem>>
      %dma_wait3A_559 = tpu.memref_slice %arg4[%add3A_13] : memref<16384xi32, #tpu.memory_space<hbm>> -> memref<128xi32, #tpu.memory_space<hbm>>
      tpu.wait_dma2 semaphore(%run_scoped3A_543 : memref<!tpu.dma_semaphore, #tpu.memory_space<semaphore_mem>>) src(%dma_wait3A_559 : memref<128xi32, #tpu.memory_space<hbm>>) dst(%dma_wait3A_558 : memref<128xi32, #tpu.memory_space<vmem>>)
      tpu.yield
    }) : () -> ()
    %add3A_17 = arith.constant 384 : i32
    %add3A_18 = arith.addi %mul3A_2, %add3A_17 : i32
    %run_scoped3A_19 = arith.constant 3 : i32
    "tpu.region"() ({
      %run_scoped3A_543 = tpu.sem_alloc : memref<!tpu.dma_semaphore, #tpu.memory_space<semaphore_mem>>
      %dma_start3A_544 = arith.constant 0 : i32
      %dma_start3A_545 = tpu.memref_slice %arg11[%run_scoped3A_19, %dma_start3A_544] : memref<4x128xi32, #tpu.memory_space<vmem>> -> memref<1x128xi32, #tpu.memory_space<vmem>>
      %dma_start3A_546 = tpu.memref_squeeze %dma_start3A_545 : memref<1x128xi32, #tpu.memory_space<vmem>> -> memref<128xi32, #tpu.memory_space<vmem>>
      %dma_start3A_547 = tpu.memref_slice %arg2[%add3A_18] : memref<16384xi32, #tpu.memory_space<hbm>> -> memref<128xi32, #tpu.memory_space<hbm>>
      %dma_start3A_548 = arith.constant 0 : i32
      %dma_start3A_549 = tpu.memref_slice %arg11[%run_scoped3A_19, %dma_start3A_548] : memref<4x128xi32, #tpu.memory_space<vmem>> -> memref<1x128xi32, #tpu.memory_space<vmem>>
      %dma_start3A_550 = tpu.memref_squeeze %dma_start3A_549 : memref<1x128xi32, #tpu.memory_space<vmem>> -> memref<128xi32, #tpu.memory_space<vmem>>
      %dma_start3A_551 = tpu.memref_slice %arg2[%add3A_18] : memref<16384xi32, #tpu.memory_space<hbm>> -> memref<128xi32, #tpu.memory_space<hbm>>
      tpu.enqueue_dma source(%dma_start3A_551 : memref<128xi32, #tpu.memory_space<hbm>>) target(%dma_start3A_550 : memref<128xi32, #tpu.memory_space<vmem>>) target_semaphore(%run_scoped3A_543 : memref<!tpu.dma_semaphore, #tpu.memory_space<semaphore_mem>>)
      %dma_wait3A_552 = arith.constant 0 : i32
      %dma_wait3A_553 = tpu.memref_slice %arg11[%run_scoped3A_19, %dma_wait3A_552] : memref<4x128xi32, #tpu.memory_space<vmem>> -> memref<1x128xi32, #tpu.memory_space<vmem>>
      %dma_wait3A_554 = tpu.memref_squeeze %dma_wait3A_553 : memref<1x128xi32, #tpu.memory_space<vmem>> -> memref<128xi32, #tpu.memory_space<vmem>>
      %dma_wait3A_555 = tpu.memref_slice %arg2[%add3A_18] : memref<16384xi32, #tpu.memory_space<hbm>> -> memref<128xi32, #tpu.memory_space<hbm>>
      %dma_wait3A_556 = arith.constant 0 : i32
      %dma_wait3A_557 = tpu.memref_slice %arg11[%run_scoped3A_19, %dma_wait3A_556] : memref<4x128xi32, #tpu.memory_space<vmem>> -> memref<1x128xi32, #tpu.memory_space<vmem>>
      %dma_wait3A_558 = tpu.memref_squeeze %dma_wait3A_557 : memref<1x128xi32, #tpu.memory_space<vmem>> -> memref<128xi32, #tpu.memory_space<vmem>>
      %dma_wait3A_559 = tpu.memref_slice %arg2[%add3A_18] : memref<16384xi32, #tpu.memory_space<hbm>> -> memref<128xi32, #tpu.memory_space<hbm>>
      tpu.wait_dma2 semaphore(%run_scoped3A_543 : memref<!tpu.dma_semaphore, #tpu.memory_space<semaphore_mem>>) src(%dma_wait3A_559 : memref<128xi32, #tpu.memory_space<hbm>>) dst(%dma_wait3A_558 : memref<128xi32, #tpu.memory_space<vmem>>)
      tpu.yield
    }) : () -> ()
    %run_scoped3A_20 = arith.constant 3 : i32
    "tpu.region"() ({
      %run_scoped3A_543 = tpu.sem_alloc : memref<!tpu.dma_semaphore, #tpu.memory_space<semaphore_mem>>
      %dma_start3A_544 = arith.constant 0 : i32
      %dma_start3A_545 = tpu.memref_slice %arg12[%run_scoped3A_20, %dma_start3A_544] : memref<4x128xi32, #tpu.memory_space<vmem>> -> memref<1x128xi32, #tpu.memory_space<vmem>>
      %dma_start3A_546 = tpu.memref_squeeze %dma_start3A_545 : memref<1x128xi32, #tpu.memory_space<vmem>> -> memref<128xi32, #tpu.memory_space<vmem>>
      %dma_start3A_547 = tpu.memref_slice %arg3[%add3A_18] : memref<16384xi32, #tpu.memory_space<hbm>> -> memref<128xi32, #tpu.memory_space<hbm>>
      %dma_start3A_548 = arith.constant 0 : i32
      %dma_start3A_549 = tpu.memref_slice %arg12[%run_scoped3A_20, %dma_start3A_548] : memref<4x128xi32, #tpu.memory_space<vmem>> -> memref<1x128xi32, #tpu.memory_space<vmem>>
      %dma_start3A_550 = tpu.memref_squeeze %dma_start3A_549 : memref<1x128xi32, #tpu.memory_space<vmem>> -> memref<128xi32, #tpu.memory_space<vmem>>
      %dma_start3A_551 = tpu.memref_slice %arg3[%add3A_18] : memref<16384xi32, #tpu.memory_space<hbm>> -> memref<128xi32, #tpu.memory_space<hbm>>
      tpu.enqueue_dma source(%dma_start3A_551 : memref<128xi32, #tpu.memory_space<hbm>>) target(%dma_start3A_550 : memref<128xi32, #tpu.memory_space<vmem>>) target_semaphore(%run_scoped3A_543 : memref<!tpu.dma_semaphore, #tpu.memory_space<semaphore_mem>>)
      %dma_wait3A_552 = arith.constant 0 : i32
      %dma_wait3A_553 = tpu.memref_slice %arg12[%run_scoped3A_20, %dma_wait3A_552] : memref<4x128xi32, #tpu.memory_space<vmem>> -> memref<1x128xi32, #tpu.memory_space<vmem>>
      %dma_wait3A_554 = tpu.memref_squeeze %dma_wait3A_553 : memref<1x128xi32, #tpu.memory_space<vmem>> -> memref<128xi32, #tpu.memory_space<vmem>>
      %dma_wait3A_555 = tpu.memref_slice %arg3[%add3A_18] : memref<16384xi32, #tpu.memory_space<hbm>> -> memref<128xi32, #tpu.memory_space<hbm>>
      %dma_wait3A_556 = arith.constant 0 : i32
      %dma_wait3A_557 = tpu.memref_slice %arg12[%run_scoped3A_20, %dma_wait3A_556] : memref<4x128xi32, #tpu.memory_space<vmem>> -> memref<1x128xi32, #tpu.memory_space<vmem>>
      %dma_wait3A_558 = tpu.memref_squeeze %dma_wait3A_557 : memref<1x128xi32, #tpu.memory_space<vmem>> -> memref<128xi32, #tpu.memory_space<vmem>>
      %dma_wait3A_559 = tpu.memref_slice %arg3[%add3A_18] : memref<16384xi32, #tpu.memory_space<hbm>> -> memref<128xi32, #tpu.memory_space<hbm>>
      tpu.wait_dma2 semaphore(%run_scoped3A_543 : memref<!tpu.dma_semaphore, #tpu.memory_space<semaphore_mem>>) src(%dma_wait3A_559 : memref<128xi32, #tpu.memory_space<hbm>>) dst(%dma_wait3A_558 : memref<128xi32, #tpu.memory_space<vmem>>)
      tpu.yield
    }) : () -> ()
    %run_scoped3A_21 = arith.constant 3 : i32
    "tpu.region"() ({
      %run_scoped3A_543 = tpu.sem_alloc : memref<!tpu.dma_semaphore, #tpu.memory_space<semaphore_mem>>
      %dma_start3A_544 = arith.constant 0 : i32
      %dma_start3A_545 = tpu.memref_slice %arg13[%run_scoped3A_21, %dma_start3A_544] : memref<4x128xi32, #tpu.memory_space<vmem>> -> memref<1x128xi32, #tpu.memory_space<vmem>>
      %dma_start3A_546 = tpu.memref_squeeze %dma_start3A_545 : memref<1x128xi32, #tpu.memory_space<vmem>> -> memref<128xi32, #tpu.memory_space<vmem>>
      %dma_start3A_547 = tpu.memref_slice %arg4[%add3A_18] : memref<16384xi32, #tpu.memory_space<hbm>> -> memref<128xi32, #tpu.memory_space<hbm>>
      %dma_start3A_548 = arith.constant 0 : i32
      %dma_start3A_549 = tpu.memref_slice %arg13[%run_scoped3A_21, %dma_start3A_548] : memref<4x128xi32, #tpu.memory_space<vmem>> -> memref<1x128xi32, #tpu.memory_space<vmem>>
      %dma_start3A_550 = tpu.memref_squeeze %dma_start3A_549 : memref<1x128xi32, #tpu.memory_space<vmem>> -> memref<128xi32, #tpu.memory_space<vmem>>
      %dma_start3A_551 = tpu.memref_slice %arg4[%add3A_18] : memref<16384xi32, #tpu.memory_space<hbm>> -> memref<128xi32, #tpu.memory_space<hbm>>
      tpu.enqueue_dma source(%dma_start3A_551 : memref<128xi32, #tpu.memory_space<hbm>>) target(%dma_start3A_550 : memref<128xi32, #tpu.memory_space<vmem>>) target_semaphore(%run_scoped3A_543 : memref<!tpu.dma_semaphore, #tpu.memory_space<semaphore_mem>>)
      %dma_wait3A_552 = arith.constant 0 : i32
      %dma_wait3A_553 = tpu.memref_slice %arg13[%run_scoped3A_21, %dma_wait3A_552] : memref<4x128xi32, #tpu.memory_space<vmem>> -> memref<1x128xi32, #tpu.memory_space<vmem>>
      %dma_wait3A_554 = tpu.memref_squeeze %dma_wait3A_553 : memref<1x128xi32, #tpu.memory_space<vmem>> -> memref<128xi32, #tpu.memory_space<vmem>>
      %dma_wait3A_555 = tpu.memref_slice %arg4[%add3A_18] : memref<16384xi32, #tpu.memory_space<hbm>> -> memref<128xi32, #tpu.memory_space<hbm>>
      %dma_wait3A_556 = arith.constant 0 : i32
      %dma_wait3A_557 = tpu.memref_slice %arg13[%run_scoped3A_21, %dma_wait3A_556] : memref<4x128xi32, #tpu.memory_space<vmem>> -> memref<1x128xi32, #tpu.memory_space<vmem>>
      %dma_wait3A_558 = tpu.memref_squeeze %dma_wait3A_557 : memref<1x128xi32, #tpu.memory_space<vmem>> -> memref<128xi32, #tpu.memory_space<vmem>>
      %dma_wait3A_559 = tpu.memref_slice %arg4[%add3A_18] : memref<16384xi32, #tpu.memory_space<hbm>> -> memref<128xi32, #tpu.memory_space<hbm>>
      tpu.wait_dma2 semaphore(%run_scoped3A_543 : memref<!tpu.dma_semaphore, #tpu.memory_space<semaphore_mem>>) src(%dma_wait3A_559 : memref<128xi32, #tpu.memory_space<hbm>>) dst(%dma_wait3A_558 : memref<128xi32, #tpu.memory_space<vmem>>)
      tpu.yield
    }) : () -> ()
    %dma_start3A = arith.constant 0 : i32
    %dma_start3A_22 = arith.constant 0 : i32
    %dma_start3A_23 = arith.constant 0 : i32
    %dma_start3A_24 = tpu.memref_slice %arg14[%dma_start3A_22, %dma_start3A_23] : memref<512x64xf32, #tpu.memory_space<vmem>> -> memref<128x64xf32, #tpu.memory_space<vmem>>
    %dma_start3A_25 = arith.constant 0 : i32
    %dma_start3A_26 = tpu.memref_slice %arg11[%dma_start3A, %dma_start3A_25] : memref<4x128xi32, #tpu.memory_space<vmem>> -> memref<1x128xi32, #tpu.memory_space<vmem>>
    %dma_start3A_27 = tpu.memref_squeeze %dma_start3A_26 : memref<1x128xi32, #tpu.memory_space<vmem>> -> memref<128xi32, #tpu.memory_space<vmem>>
    %dma_start3A_28 = arith.constant 0 : i32
    %dma_start3A_29 = arith.constant 0 : i32
    %dma_start3A_30 = tpu.memref_slice %arg8[%dma_start3A_28, %dma_start3A_29] : memref<1000000x64xf32, #tpu.memory_space<hbm>> -> memref<1000000x64xf32, #tpu.memory_space<hbm>>
    tpu.enqueue_indirect_dma source(%dma_start3A_30 : memref<1000000x64xf32, #tpu.memory_space<hbm>>) target(%dma_start3A_24 : memref<128x64xf32, #tpu.memory_space<vmem>>) offsets(%dma_start3A_27 : memref<128xi32, #tpu.memory_space<vmem>>) semaphore(%arg18 : memref<!tpu.dma_semaphore, #tpu.memory_space<semaphore_mem>>)
    %dma_start3A_31 = arith.constant 0 : i32
    %dma_start3A_32 = arith.constant 0 : i32
    %dma_start3A_33 = arith.constant 0 : i32
    %dma_start3A_34 = tpu.memref_slice %arg15[%dma_start3A_32, %dma_start3A_33] : memref<512x64xf32, #tpu.memory_space<vmem>> -> memref<128x64xf32, #tpu.memory_space<vmem>>
    %dma_start3A_35 = arith.constant 0 : i32
    %dma_start3A_36 = tpu.memref_slice %arg12[%dma_start3A_31, %dma_start3A_35] : memref<4x128xi32, #tpu.memory_space<vmem>> -> memref<1x128xi32, #tpu.memory_space<vmem>>
    %dma_start3A_37 = tpu.memref_squeeze %dma_start3A_36 : memref<1x128xi32, #tpu.memory_space<vmem>> -> memref<128xi32, #tpu.memory_space<vmem>>
    %dma_start3A_38 = arith.constant 0 : i32
    %dma_start3A_39 = arith.constant 0 : i32
    %dma_start3A_40 = tpu.memref_slice %arg9[%dma_start3A_38, %dma_start3A_39] : memref<1000000x64xf32, #tpu.memory_space<hbm>> -> memref<1000000x64xf32, #tpu.memory_space<hbm>>
    tpu.enqueue_indirect_dma source(%dma_start3A_40 : memref<1000000x64xf32, #tpu.memory_space<hbm>>) target(%dma_start3A_34 : memref<128x64xf32, #tpu.memory_space<vmem>>) offsets(%dma_start3A_37 : memref<128xi32, #tpu.memory_space<vmem>>) semaphore(%arg18 : memref<!tpu.dma_semaphore, #tpu.memory_space<semaphore_mem>>)
    %dma_start3A_41 = arith.constant 0 : i32
    %dma_start3A_42 = arith.constant 0 : i32
    %dma_start3A_43 = arith.constant 0 : i32
    %dma_start3A_44 = tpu.memref_slice %arg16[%dma_start3A_42, %dma_start3A_43] : memref<512x64xf32, #tpu.memory_space<vmem>> -> memref<128x64xf32, #tpu.memory_space<vmem>>
    %dma_start3A_45 = arith.constant 0 : i32
    %dma_start3A_46 = tpu.memref_slice %arg13[%dma_start3A_41, %dma_start3A_45] : memref<4x128xi32, #tpu.memory_space<vmem>> -> memref<1x128xi32, #tpu.memory_space<vmem>>
    %dma_start3A_47 = tpu.memref_squeeze %dma_start3A_46 : memref<1x128xi32, #tpu.memory_space<vmem>> -> memref<128xi32, #tpu.memory_space<vmem>>
    %dma_start3A_48 = arith.constant 0 : i32
    %dma_start3A_49 = arith.constant 0 : i32
    %dma_start3A_50 = tpu.memref_slice %arg8[%dma_start3A_48, %dma_start3A_49] : memref<1000000x64xf32, #tpu.memory_space<hbm>> -> memref<1000000x64xf32, #tpu.memory_space<hbm>>
    tpu.enqueue_indirect_dma source(%dma_start3A_50 : memref<1000000x64xf32, #tpu.memory_space<hbm>>) target(%dma_start3A_44 : memref<128x64xf32, #tpu.memory_space<vmem>>) offsets(%dma_start3A_47 : memref<128xi32, #tpu.memory_space<vmem>>) semaphore(%arg18 : memref<!tpu.dma_semaphore, #tpu.memory_space<semaphore_mem>>)
    %dma_start3A_51 = arith.constant 1 : i32
    %dma_start3A_52 = arith.constant 128 : i32
    %dma_start3A_53 = arith.constant 0 : i32
    %dma_start3A_54 = tpu.memref_slice %arg14[%dma_start3A_52, %dma_start3A_53] : memref<512x64xf32, #tpu.memory_space<vmem>> -> memref<128x64xf32, #tpu.memory_space<vmem>>
    %dma_start3A_55 = arith.constant 0 : i32
    %dma_start3A_56 = tpu.memref_slice %arg11[%dma_start3A_51, %dma_start3A_55] : memref<4x128xi32, #tpu.memory_space<vmem>> -> memref<1x128xi32, #tpu.memory_space<vmem>>
    %dma_start3A_57 = tpu.memref_squeeze %dma_start3A_56 : memref<1x128xi32, #tpu.memory_space<vmem>> -> memref<128xi32, #tpu.memory_space<vmem>>
    %dma_start3A_58 = arith.constant 0 : i32
    %dma_start3A_59 = arith.constant 0 : i32
    %dma_start3A_60 = tpu.memref_slice %arg8[%dma_start3A_58, %dma_start3A_59] : memref<1000000x64xf32, #tpu.memory_space<hbm>> -> memref<1000000x64xf32, #tpu.memory_space<hbm>>
    tpu.enqueue_indirect_dma source(%dma_start3A_60 : memref<1000000x64xf32, #tpu.memory_space<hbm>>) target(%dma_start3A_54 : memref<128x64xf32, #tpu.memory_space<vmem>>) offsets(%dma_start3A_57 : memref<128xi32, #tpu.memory_space<vmem>>) semaphore(%arg18 : memref<!tpu.dma_semaphore, #tpu.memory_space<semaphore_mem>>)
    %dma_start3A_61 = arith.constant 1 : i32
    %dma_start3A_62 = arith.constant 128 : i32
    %dma_start3A_63 = arith.constant 0 : i32
    %dma_start3A_64 = tpu.memref_slice %arg15[%dma_start3A_62, %dma_start3A_63] : memref<512x64xf32, #tpu.memory_space<vmem>> -> memref<128x64xf32, #tpu.memory_space<vmem>>
    %dma_start3A_65 = arith.constant 0 : i32
    %dma_start3A_66 = tpu.memref_slice %arg12[%dma_start3A_61, %dma_start3A_65] : memref<4x128xi32, #tpu.memory_space<vmem>> -> memref<1x128xi32, #tpu.memory_space<vmem>>
    %dma_start3A_67 = tpu.memref_squeeze %dma_start3A_66 : memref<1x128xi32, #tpu.memory_space<vmem>> -> memref<128xi32, #tpu.memory_space<vmem>>
    %dma_start3A_68 = arith.constant 0 : i32
    %dma_start3A_69 = arith.constant 0 : i32
    %dma_start3A_70 = tpu.memref_slice %arg9[%dma_start3A_68, %dma_start3A_69] : memref<1000000x64xf32, #tpu.memory_space<hbm>> -> memref<1000000x64xf32, #tpu.memory_space<hbm>>
    tpu.enqueue_indirect_dma source(%dma_start3A_70 : memref<1000000x64xf32, #tpu.memory_space<hbm>>) target(%dma_start3A_64 : memref<128x64xf32, #tpu.memory_space<vmem>>) offsets(%dma_start3A_67 : memref<128xi32, #tpu.memory_space<vmem>>) semaphore(%arg18 : memref<!tpu.dma_semaphore, #tpu.memory_space<semaphore_mem>>)
    %dma_start3A_71 = arith.constant 1 : i32
    %dma_start3A_72 = arith.constant 128 : i32
    %dma_start3A_73 = arith.constant 0 : i32
    %dma_start3A_74 = tpu.memref_slice %arg16[%dma_start3A_72, %dma_start3A_73] : memref<512x64xf32, #tpu.memory_space<vmem>> -> memref<128x64xf32, #tpu.memory_space<vmem>>
    %dma_start3A_75 = arith.constant 0 : i32
    %dma_start3A_76 = tpu.memref_slice %arg13[%dma_start3A_71, %dma_start3A_75] : memref<4x128xi32, #tpu.memory_space<vmem>> -> memref<1x128xi32, #tpu.memory_space<vmem>>
    %dma_start3A_77 = tpu.memref_squeeze %dma_start3A_76 : memref<1x128xi32, #tpu.memory_space<vmem>> -> memref<128xi32, #tpu.memory_space<vmem>>
    %dma_start3A_78 = arith.constant 0 : i32
    %dma_start3A_79 = arith.constant 0 : i32
    %dma_start3A_80 = tpu.memref_slice %arg8[%dma_start3A_78, %dma_start3A_79] : memref<1000000x64xf32, #tpu.memory_space<hbm>> -> memref<1000000x64xf32, #tpu.memory_space<hbm>>
    tpu.enqueue_indirect_dma source(%dma_start3A_80 : memref<1000000x64xf32, #tpu.memory_space<hbm>>) target(%dma_start3A_74 : memref<128x64xf32, #tpu.memory_space<vmem>>) offsets(%dma_start3A_77 : memref<128xi32, #tpu.memory_space<vmem>>) semaphore(%arg18 : memref<!tpu.dma_semaphore, #tpu.memory_space<semaphore_mem>>)
    %dma_start3A_81 = arith.constant 2 : i32
    %dma_start3A_82 = arith.constant 256 : i32
    %dma_start3A_83 = arith.constant 0 : i32
    %dma_start3A_84 = tpu.memref_slice %arg14[%dma_start3A_82, %dma_start3A_83] : memref<512x64xf32, #tpu.memory_space<vmem>> -> memref<128x64xf32, #tpu.memory_space<vmem>>
    %dma_start3A_85 = arith.constant 0 : i32
    %dma_start3A_86 = tpu.memref_slice %arg11[%dma_start3A_81, %dma_start3A_85] : memref<4x128xi32, #tpu.memory_space<vmem>> -> memref<1x128xi32, #tpu.memory_space<vmem>>
    %dma_start3A_87 = tpu.memref_squeeze %dma_start3A_86 : memref<1x128xi32, #tpu.memory_space<vmem>> -> memref<128xi32, #tpu.memory_space<vmem>>
    %dma_start3A_88 = arith.constant 0 : i32
    %dma_start3A_89 = arith.constant 0 : i32
    %dma_start3A_90 = tpu.memref_slice %arg8[%dma_start3A_88, %dma_start3A_89] : memref<1000000x64xf32, #tpu.memory_space<hbm>> -> memref<1000000x64xf32, #tpu.memory_space<hbm>>
    tpu.enqueue_indirect_dma source(%dma_start3A_90 : memref<1000000x64xf32, #tpu.memory_space<hbm>>) target(%dma_start3A_84 : memref<128x64xf32, #tpu.memory_space<vmem>>) offsets(%dma_start3A_87 : memref<128xi32, #tpu.memory_space<vmem>>) semaphore(%arg18 : memref<!tpu.dma_semaphore, #tpu.memory_space<semaphore_mem>>)
    %dma_start3A_91 = arith.constant 2 : i32
    %dma_start3A_92 = arith.constant 256 : i32
    %dma_start3A_93 = arith.constant 0 : i32
    %dma_start3A_94 = tpu.memref_slice %arg15[%dma_start3A_92, %dma_start3A_93] : memref<512x64xf32, #tpu.memory_space<vmem>> -> memref<128x64xf32, #tpu.memory_space<vmem>>
    %dma_start3A_95 = arith.constant 0 : i32
    %dma_start3A_96 = tpu.memref_slice %arg12[%dma_start3A_91, %dma_start3A_95] : memref<4x128xi32, #tpu.memory_space<vmem>> -> memref<1x128xi32, #tpu.memory_space<vmem>>
    %dma_start3A_97 = tpu.memref_squeeze %dma_start3A_96 : memref<1x128xi32, #tpu.memory_space<vmem>> -> memref<128xi32, #tpu.memory_space<vmem>>
    %dma_start3A_98 = arith.constant 0 : i32
    %dma_start3A_99 = arith.constant 0 : i32
    %dma_start3A_100 = tpu.memref_slice %arg9[%dma_start3A_98, %dma_start3A_99] : memref<1000000x64xf32, #tpu.memory_space<hbm>> -> memref<1000000x64xf32, #tpu.memory_space<hbm>>
    tpu.enqueue_indirect_dma source(%dma_start3A_100 : memref<1000000x64xf32, #tpu.memory_space<hbm>>) target(%dma_start3A_94 : memref<128x64xf32, #tpu.memory_space<vmem>>) offsets(%dma_start3A_97 : memref<128xi32, #tpu.memory_space<vmem>>) semaphore(%arg18 : memref<!tpu.dma_semaphore, #tpu.memory_space<semaphore_mem>>)
    %dma_start3A_101 = arith.constant 2 : i32
    %dma_start3A_102 = arith.constant 256 : i32
    %dma_start3A_103 = arith.constant 0 : i32
    %dma_start3A_104 = tpu.memref_slice %arg16[%dma_start3A_102, %dma_start3A_103] : memref<512x64xf32, #tpu.memory_space<vmem>> -> memref<128x64xf32, #tpu.memory_space<vmem>>
    %dma_start3A_105 = arith.constant 0 : i32
    %dma_start3A_106 = tpu.memref_slice %arg13[%dma_start3A_101, %dma_start3A_105] : memref<4x128xi32, #tpu.memory_space<vmem>> -> memref<1x128xi32, #tpu.memory_space<vmem>>
    %dma_start3A_107 = tpu.memref_squeeze %dma_start3A_106 : memref<1x128xi32, #tpu.memory_space<vmem>> -> memref<128xi32, #tpu.memory_space<vmem>>
    %dma_start3A_108 = arith.constant 0 : i32
    %dma_start3A_109 = arith.constant 0 : i32
    %dma_start3A_110 = tpu.memref_slice %arg8[%dma_start3A_108, %dma_start3A_109] : memref<1000000x64xf32, #tpu.memory_space<hbm>> -> memref<1000000x64xf32, #tpu.memory_space<hbm>>
    tpu.enqueue_indirect_dma source(%dma_start3A_110 : memref<1000000x64xf32, #tpu.memory_space<hbm>>) target(%dma_start3A_104 : memref<128x64xf32, #tpu.memory_space<vmem>>) offsets(%dma_start3A_107 : memref<128xi32, #tpu.memory_space<vmem>>) semaphore(%arg18 : memref<!tpu.dma_semaphore, #tpu.memory_space<semaphore_mem>>)
    %dma_start3A_111 = arith.constant 3 : i32
    %dma_start3A_112 = arith.constant 384 : i32
    %dma_start3A_113 = arith.constant 0 : i32
    %dma_start3A_114 = tpu.memref_slice %arg14[%dma_start3A_112, %dma_start3A_113] : memref<512x64xf32, #tpu.memory_space<vmem>> -> memref<128x64xf32, #tpu.memory_space<vmem>>
    %dma_start3A_115 = arith.constant 0 : i32
    %dma_start3A_116 = tpu.memref_slice %arg11[%dma_start3A_111, %dma_start3A_115] : memref<4x128xi32, #tpu.memory_space<vmem>> -> memref<1x128xi32, #tpu.memory_space<vmem>>
    %dma_start3A_117 = tpu.memref_squeeze %dma_start3A_116 : memref<1x128xi32, #tpu.memory_space<vmem>> -> memref<128xi32, #tpu.memory_space<vmem>>
    %dma_start3A_118 = arith.constant 0 : i32
    %dma_start3A_119 = arith.constant 0 : i32
    %dma_start3A_120 = tpu.memref_slice %arg8[%dma_start3A_118, %dma_start3A_119] : memref<1000000x64xf32, #tpu.memory_space<hbm>> -> memref<1000000x64xf32, #tpu.memory_space<hbm>>
    tpu.enqueue_indirect_dma source(%dma_start3A_120 : memref<1000000x64xf32, #tpu.memory_space<hbm>>) target(%dma_start3A_114 : memref<128x64xf32, #tpu.memory_space<vmem>>) offsets(%dma_start3A_117 : memref<128xi32, #tpu.memory_space<vmem>>) semaphore(%arg18 : memref<!tpu.dma_semaphore, #tpu.memory_space<semaphore_mem>>)
    %dma_start3A_121 = arith.constant 3 : i32
    %dma_start3A_122 = arith.constant 384 : i32
    %dma_start3A_123 = arith.constant 0 : i32
    %dma_start3A_124 = tpu.memref_slice %arg15[%dma_start3A_122, %dma_start3A_123] : memref<512x64xf32, #tpu.memory_space<vmem>> -> memref<128x64xf32, #tpu.memory_space<vmem>>
    %dma_start3A_125 = arith.constant 0 : i32
    %dma_start3A_126 = tpu.memref_slice %arg12[%dma_start3A_121, %dma_start3A_125] : memref<4x128xi32, #tpu.memory_space<vmem>> -> memref<1x128xi32, #tpu.memory_space<vmem>>
    %dma_start3A_127 = tpu.memref_squeeze %dma_start3A_126 : memref<1x128xi32, #tpu.memory_space<vmem>> -> memref<128xi32, #tpu.memory_space<vmem>>
    %dma_start3A_128 = arith.constant 0 : i32
    %dma_start3A_129 = arith.constant 0 : i32
    %dma_start3A_130 = tpu.memref_slice %arg9[%dma_start3A_128, %dma_start3A_129] : memref<1000000x64xf32, #tpu.memory_space<hbm>> -> memref<1000000x64xf32, #tpu.memory_space<hbm>>
    tpu.enqueue_indirect_dma source(%dma_start3A_130 : memref<1000000x64xf32, #tpu.memory_space<hbm>>) target(%dma_start3A_124 : memref<128x64xf32, #tpu.memory_space<vmem>>) offsets(%dma_start3A_127 : memref<128xi32, #tpu.memory_space<vmem>>) semaphore(%arg18 : memref<!tpu.dma_semaphore, #tpu.memory_space<semaphore_mem>>)
    %dma_start3A_131 = arith.constant 3 : i32
    %dma_start3A_132 = arith.constant 384 : i32
    %dma_start3A_133 = arith.constant 0 : i32
    %dma_start3A_134 = tpu.memref_slice %arg16[%dma_start3A_132, %dma_start3A_133] : memref<512x64xf32, #tpu.memory_space<vmem>> -> memref<128x64xf32, #tpu.memory_space<vmem>>
    %dma_start3A_135 = arith.constant 0 : i32
    %dma_start3A_136 = tpu.memref_slice %arg13[%dma_start3A_131, %dma_start3A_135] : memref<4x128xi32, #tpu.memory_space<vmem>> -> memref<1x128xi32, #tpu.memory_space<vmem>>
    %dma_start3A_137 = tpu.memref_squeeze %dma_start3A_136 : memref<1x128xi32, #tpu.memory_space<vmem>> -> memref<128xi32, #tpu.memory_space<vmem>>
    %dma_start3A_138 = arith.constant 0 : i32
    %dma_start3A_139 = arith.constant 0 : i32
    %dma_start3A_140 = tpu.memref_slice %arg8[%dma_start3A_138, %dma_start3A_139] : memref<1000000x64xf32, #tpu.memory_space<hbm>> -> memref<1000000x64xf32, #tpu.memory_space<hbm>>
    tpu.enqueue_indirect_dma source(%dma_start3A_140 : memref<1000000x64xf32, #tpu.memory_space<hbm>>) target(%dma_start3A_134 : memref<128x64xf32, #tpu.memory_space<vmem>>) offsets(%dma_start3A_137 : memref<128xi32, #tpu.memory_space<vmem>>) semaphore(%arg18 : memref<!tpu.dma_semaphore, #tpu.memory_space<semaphore_mem>>)
    %dma_wait3A = arith.constant 0 : i32
    %dma_wait3A_141 = arith.constant 0 : i32
    %dma_wait3A_142 = arith.constant 0 : i32
    %dma_wait3A_143 = tpu.memref_slice %arg14[%dma_wait3A_141, %dma_wait3A_142] : memref<512x64xf32, #tpu.memory_space<vmem>> -> memref<128x64xf32, #tpu.memory_space<vmem>>
    %dma_wait3A_144 = arith.constant 0 : i32
    %dma_wait3A_145 = tpu.memref_slice %arg11[%dma_wait3A, %dma_wait3A_144] : memref<4x128xi32, #tpu.memory_space<vmem>> -> memref<1x128xi32, #tpu.memory_space<vmem>>
    %dma_wait3A_146 = tpu.memref_squeeze %dma_wait3A_145 : memref<1x128xi32, #tpu.memory_space<vmem>> -> memref<128xi32, #tpu.memory_space<vmem>>
    %dma_wait3A_147 = arith.constant 0 : i32
    %dma_wait3A_148 = arith.constant 0 : i32
    %dma_wait3A_149 = tpu.memref_slice %arg8[%dma_wait3A_147, %dma_wait3A_148] : memref<1000000x64xf32, #tpu.memory_space<hbm>> -> memref<1000000x64xf32, #tpu.memory_space<hbm>>
    tpu.wait_indirect_dma semaphore(%arg18 : memref<!tpu.dma_semaphore, #tpu.memory_space<semaphore_mem>>) src(%dma_wait3A_149 : memref<1000000x64xf32, #tpu.memory_space<hbm>>) dst(%dma_wait3A_143 : memref<128x64xf32, #tpu.memory_space<vmem>>)
    %dma_wait3A_150 = arith.constant 0 : i32
    %dma_wait3A_151 = arith.constant 0 : i32
    %dma_wait3A_152 = arith.constant 0 : i32
    %dma_wait3A_153 = tpu.memref_slice %arg15[%dma_wait3A_151, %dma_wait3A_152] : memref<512x64xf32, #tpu.memory_space<vmem>> -> memref<128x64xf32, #tpu.memory_space<vmem>>
    %dma_wait3A_154 = arith.constant 0 : i32
    %dma_wait3A_155 = tpu.memref_slice %arg12[%dma_wait3A_150, %dma_wait3A_154] : memref<4x128xi32, #tpu.memory_space<vmem>> -> memref<1x128xi32, #tpu.memory_space<vmem>>
    %dma_wait3A_156 = tpu.memref_squeeze %dma_wait3A_155 : memref<1x128xi32, #tpu.memory_space<vmem>> -> memref<128xi32, #tpu.memory_space<vmem>>
    %dma_wait3A_157 = arith.constant 0 : i32
    %dma_wait3A_158 = arith.constant 0 : i32
    %dma_wait3A_159 = tpu.memref_slice %arg9[%dma_wait3A_157, %dma_wait3A_158] : memref<1000000x64xf32, #tpu.memory_space<hbm>> -> memref<1000000x64xf32, #tpu.memory_space<hbm>>
    tpu.wait_indirect_dma semaphore(%arg18 : memref<!tpu.dma_semaphore, #tpu.memory_space<semaphore_mem>>) src(%dma_wait3A_159 : memref<1000000x64xf32, #tpu.memory_space<hbm>>) dst(%dma_wait3A_153 : memref<128x64xf32, #tpu.memory_space<vmem>>)
    %dma_wait3A_160 = arith.constant 0 : i32
    %dma_wait3A_161 = arith.constant 0 : i32
    %dma_wait3A_162 = arith.constant 0 : i32
    %dma_wait3A_163 = tpu.memref_slice %arg16[%dma_wait3A_161, %dma_wait3A_162] : memref<512x64xf32, #tpu.memory_space<vmem>> -> memref<128x64xf32, #tpu.memory_space<vmem>>
    %dma_wait3A_164 = arith.constant 0 : i32
    %dma_wait3A_165 = tpu.memref_slice %arg13[%dma_wait3A_160, %dma_wait3A_164] : memref<4x128xi32, #tpu.memory_space<vmem>> -> memref<1x128xi32, #tpu.memory_space<vmem>>
    %dma_wait3A_166 = tpu.memref_squeeze %dma_wait3A_165 : memref<1x128xi32, #tpu.memory_space<vmem>> -> memref<128xi32, #tpu.memory_space<vmem>>
    %dma_wait3A_167 = arith.constant 0 : i32
    %dma_wait3A_168 = arith.constant 0 : i32
    %dma_wait3A_169 = tpu.memref_slice %arg8[%dma_wait3A_167, %dma_wait3A_168] : memref<1000000x64xf32, #tpu.memory_space<hbm>> -> memref<1000000x64xf32, #tpu.memory_space<hbm>>
    tpu.wait_indirect_dma semaphore(%arg18 : memref<!tpu.dma_semaphore, #tpu.memory_space<semaphore_mem>>) src(%dma_wait3A_169 : memref<1000000x64xf32, #tpu.memory_space<hbm>>) dst(%dma_wait3A_163 : memref<128x64xf32, #tpu.memory_space<vmem>>)
    %dma_wait3A_170 = arith.constant 1 : i32
    %dma_wait3A_171 = arith.constant 128 : i32
    %dma_wait3A_172 = arith.constant 0 : i32
    %dma_wait3A_173 = tpu.memref_slice %arg14[%dma_wait3A_171, %dma_wait3A_172] : memref<512x64xf32, #tpu.memory_space<vmem>> -> memref<128x64xf32, #tpu.memory_space<vmem>>
    %dma_wait3A_174 = arith.constant 0 : i32
    %dma_wait3A_175 = tpu.memref_slice %arg11[%dma_wait3A_170, %dma_wait3A_174] : memref<4x128xi32, #tpu.memory_space<vmem>> -> memref<1x128xi32, #tpu.memory_space<vmem>>
    %dma_wait3A_176 = tpu.memref_squeeze %dma_wait3A_175 : memref<1x128xi32, #tpu.memory_space<vmem>> -> memref<128xi32, #tpu.memory_space<vmem>>
    %dma_wait3A_177 = arith.constant 0 : i32
    %dma_wait3A_178 = arith.constant 0 : i32
    %dma_wait3A_179 = tpu.memref_slice %arg8[%dma_wait3A_177, %dma_wait3A_178] : memref<1000000x64xf32, #tpu.memory_space<hbm>> -> memref<1000000x64xf32, #tpu.memory_space<hbm>>
    tpu.wait_indirect_dma semaphore(%arg18 : memref<!tpu.dma_semaphore, #tpu.memory_space<semaphore_mem>>) src(%dma_wait3A_179 : memref<1000000x64xf32, #tpu.memory_space<hbm>>) dst(%dma_wait3A_173 : memref<128x64xf32, #tpu.memory_space<vmem>>)
    %dma_wait3A_180 = arith.constant 1 : i32
    %dma_wait3A_181 = arith.constant 128 : i32
    %dma_wait3A_182 = arith.constant 0 : i32
    %dma_wait3A_183 = tpu.memref_slice %arg15[%dma_wait3A_181, %dma_wait3A_182] : memref<512x64xf32, #tpu.memory_space<vmem>> -> memref<128x64xf32, #tpu.memory_space<vmem>>
    %dma_wait3A_184 = arith.constant 0 : i32
    %dma_wait3A_185 = tpu.memref_slice %arg12[%dma_wait3A_180, %dma_wait3A_184] : memref<4x128xi32, #tpu.memory_space<vmem>> -> memref<1x128xi32, #tpu.memory_space<vmem>>
    %dma_wait3A_186 = tpu.memref_squeeze %dma_wait3A_185 : memref<1x128xi32, #tpu.memory_space<vmem>> -> memref<128xi32, #tpu.memory_space<vmem>>
    %dma_wait3A_187 = arith.constant 0 : i32
    %dma_wait3A_188 = arith.constant 0 : i32
    %dma_wait3A_189 = tpu.memref_slice %arg9[%dma_wait3A_187, %dma_wait3A_188] : memref<1000000x64xf32, #tpu.memory_space<hbm>> -> memref<1000000x64xf32, #tpu.memory_space<hbm>>
    tpu.wait_indirect_dma semaphore(%arg18 : memref<!tpu.dma_semaphore, #tpu.memory_space<semaphore_mem>>) src(%dma_wait3A_189 : memref<1000000x64xf32, #tpu.memory_space<hbm>>) dst(%dma_wait3A_183 : memref<128x64xf32, #tpu.memory_space<vmem>>)
    %dma_wait3A_190 = arith.constant 1 : i32
    %dma_wait3A_191 = arith.constant 128 : i32
    %dma_wait3A_192 = arith.constant 0 : i32
    %dma_wait3A_193 = tpu.memref_slice %arg16[%dma_wait3A_191, %dma_wait3A_192] : memref<512x64xf32, #tpu.memory_space<vmem>> -> memref<128x64xf32, #tpu.memory_space<vmem>>
    %dma_wait3A_194 = arith.constant 0 : i32
    %dma_wait3A_195 = tpu.memref_slice %arg13[%dma_wait3A_190, %dma_wait3A_194] : memref<4x128xi32, #tpu.memory_space<vmem>> -> memref<1x128xi32, #tpu.memory_space<vmem>>
    %dma_wait3A_196 = tpu.memref_squeeze %dma_wait3A_195 : memref<1x128xi32, #tpu.memory_space<vmem>> -> memref<128xi32, #tpu.memory_space<vmem>>
    %dma_wait3A_197 = arith.constant 0 : i32
    %dma_wait3A_198 = arith.constant 0 : i32
    %dma_wait3A_199 = tpu.memref_slice %arg8[%dma_wait3A_197, %dma_wait3A_198] : memref<1000000x64xf32, #tpu.memory_space<hbm>> -> memref<1000000x64xf32, #tpu.memory_space<hbm>>
    tpu.wait_indirect_dma semaphore(%arg18 : memref<!tpu.dma_semaphore, #tpu.memory_space<semaphore_mem>>) src(%dma_wait3A_199 : memref<1000000x64xf32, #tpu.memory_space<hbm>>) dst(%dma_wait3A_193 : memref<128x64xf32, #tpu.memory_space<vmem>>)
    %dma_wait3A_200 = arith.constant 2 : i32
    %dma_wait3A_201 = arith.constant 256 : i32
    %dma_wait3A_202 = arith.constant 0 : i32
    %dma_wait3A_203 = tpu.memref_slice %arg14[%dma_wait3A_201, %dma_wait3A_202] : memref<512x64xf32, #tpu.memory_space<vmem>> -> memref<128x64xf32, #tpu.memory_space<vmem>>
    %dma_wait3A_204 = arith.constant 0 : i32
    %dma_wait3A_205 = tpu.memref_slice %arg11[%dma_wait3A_200, %dma_wait3A_204] : memref<4x128xi32, #tpu.memory_space<vmem>> -> memref<1x128xi32, #tpu.memory_space<vmem>>
    %dma_wait3A_206 = tpu.memref_squeeze %dma_wait3A_205 : memref<1x128xi32, #tpu.memory_space<vmem>> -> memref<128xi32, #tpu.memory_space<vmem>>
    %dma_wait3A_207 = arith.constant 0 : i32
    %dma_wait3A_208 = arith.constant 0 : i32
    %dma_wait3A_209 = tpu.memref_slice %arg8[%dma_wait3A_207, %dma_wait3A_208] : memref<1000000x64xf32, #tpu.memory_space<hbm>> -> memref<1000000x64xf32, #tpu.memory_space<hbm>>
    tpu.wait_indirect_dma semaphore(%arg18 : memref<!tpu.dma_semaphore, #tpu.memory_space<semaphore_mem>>) src(%dma_wait3A_209 : memref<1000000x64xf32, #tpu.memory_space<hbm>>) dst(%dma_wait3A_203 : memref<128x64xf32, #tpu.memory_space<vmem>>)
    %dma_wait3A_210 = arith.constant 2 : i32
    %dma_wait3A_211 = arith.constant 256 : i32
    %dma_wait3A_212 = arith.constant 0 : i32
    %dma_wait3A_213 = tpu.memref_slice %arg15[%dma_wait3A_211, %dma_wait3A_212] : memref<512x64xf32, #tpu.memory_space<vmem>> -> memref<128x64xf32, #tpu.memory_space<vmem>>
    %dma_wait3A_214 = arith.constant 0 : i32
    %dma_wait3A_215 = tpu.memref_slice %arg12[%dma_wait3A_210, %dma_wait3A_214] : memref<4x128xi32, #tpu.memory_space<vmem>> -> memref<1x128xi32, #tpu.memory_space<vmem>>
    %dma_wait3A_216 = tpu.memref_squeeze %dma_wait3A_215 : memref<1x128xi32, #tpu.memory_space<vmem>> -> memref<128xi32, #tpu.memory_space<vmem>>
    %dma_wait3A_217 = arith.constant 0 : i32
    %dma_wait3A_218 = arith.constant 0 : i32
    %dma_wait3A_219 = tpu.memref_slice %arg9[%dma_wait3A_217, %dma_wait3A_218] : memref<1000000x64xf32, #tpu.memory_space<hbm>> -> memref<1000000x64xf32, #tpu.memory_space<hbm>>
    tpu.wait_indirect_dma semaphore(%arg18 : memref<!tpu.dma_semaphore, #tpu.memory_space<semaphore_mem>>) src(%dma_wait3A_219 : memref<1000000x64xf32, #tpu.memory_space<hbm>>) dst(%dma_wait3A_213 : memref<128x64xf32, #tpu.memory_space<vmem>>)
    %dma_wait3A_220 = arith.constant 2 : i32
    %dma_wait3A_221 = arith.constant 256 : i32
    %dma_wait3A_222 = arith.constant 0 : i32
    %dma_wait3A_223 = tpu.memref_slice %arg16[%dma_wait3A_221, %dma_wait3A_222] : memref<512x64xf32, #tpu.memory_space<vmem>> -> memref<128x64xf32, #tpu.memory_space<vmem>>
    %dma_wait3A_224 = arith.constant 0 : i32
    %dma_wait3A_225 = tpu.memref_slice %arg13[%dma_wait3A_220, %dma_wait3A_224] : memref<4x128xi32, #tpu.memory_space<vmem>> -> memref<1x128xi32, #tpu.memory_space<vmem>>
    %dma_wait3A_226 = tpu.memref_squeeze %dma_wait3A_225 : memref<1x128xi32, #tpu.memory_space<vmem>> -> memref<128xi32, #tpu.memory_space<vmem>>
    %dma_wait3A_227 = arith.constant 0 : i32
    %dma_wait3A_228 = arith.constant 0 : i32
    %dma_wait3A_229 = tpu.memref_slice %arg8[%dma_wait3A_227, %dma_wait3A_228] : memref<1000000x64xf32, #tpu.memory_space<hbm>> -> memref<1000000x64xf32, #tpu.memory_space<hbm>>
    tpu.wait_indirect_dma semaphore(%arg18 : memref<!tpu.dma_semaphore, #tpu.memory_space<semaphore_mem>>) src(%dma_wait3A_229 : memref<1000000x64xf32, #tpu.memory_space<hbm>>) dst(%dma_wait3A_223 : memref<128x64xf32, #tpu.memory_space<vmem>>)
    %dma_wait3A_230 = arith.constant 3 : i32
    %dma_wait3A_231 = arith.constant 384 : i32
    %dma_wait3A_232 = arith.constant 0 : i32
    %dma_wait3A_233 = tpu.memref_slice %arg14[%dma_wait3A_231, %dma_wait3A_232] : memref<512x64xf32, #tpu.memory_space<vmem>> -> memref<128x64xf32, #tpu.memory_space<vmem>>
    %dma_wait3A_234 = arith.constant 0 : i32
    %dma_wait3A_235 = tpu.memref_slice %arg11[%dma_wait3A_230, %dma_wait3A_234] : memref<4x128xi32, #tpu.memory_space<vmem>> -> memref<1x128xi32, #tpu.memory_space<vmem>>
    %dma_wait3A_236 = tpu.memref_squeeze %dma_wait3A_235 : memref<1x128xi32, #tpu.memory_space<vmem>> -> memref<128xi32, #tpu.memory_space<vmem>>
    %dma_wait3A_237 = arith.constant 0 : i32
    %dma_wait3A_238 = arith.constant 0 : i32
    %dma_wait3A_239 = tpu.memref_slice %arg8[%dma_wait3A_237, %dma_wait3A_238] : memref<1000000x64xf32, #tpu.memory_space<hbm>> -> memref<1000000x64xf32, #tpu.memory_space<hbm>>
    tpu.wait_indirect_dma semaphore(%arg18 : memref<!tpu.dma_semaphore, #tpu.memory_space<semaphore_mem>>) src(%dma_wait3A_239 : memref<1000000x64xf32, #tpu.memory_space<hbm>>) dst(%dma_wait3A_233 : memref<128x64xf32, #tpu.memory_space<vmem>>)
    %dma_wait3A_240 = arith.constant 3 : i32
    %dma_wait3A_241 = arith.constant 384 : i32
    %dma_wait3A_242 = arith.constant 0 : i32
    %dma_wait3A_243 = tpu.memref_slice %arg15[%dma_wait3A_241, %dma_wait3A_242] : memref<512x64xf32, #tpu.memory_space<vmem>> -> memref<128x64xf32, #tpu.memory_space<vmem>>
    %dma_wait3A_244 = arith.constant 0 : i32
    %dma_wait3A_245 = tpu.memref_slice %arg12[%dma_wait3A_240, %dma_wait3A_244] : memref<4x128xi32, #tpu.memory_space<vmem>> -> memref<1x128xi32, #tpu.memory_space<vmem>>
    %dma_wait3A_246 = tpu.memref_squeeze %dma_wait3A_245 : memref<1x128xi32, #tpu.memory_space<vmem>> -> memref<128xi32, #tpu.memory_space<vmem>>
    %dma_wait3A_247 = arith.constant 0 : i32
    %dma_wait3A_248 = arith.constant 0 : i32
    %dma_wait3A_249 = tpu.memref_slice %arg9[%dma_wait3A_247, %dma_wait3A_248] : memref<1000000x64xf32, #tpu.memory_space<hbm>> -> memref<1000000x64xf32, #tpu.memory_space<hbm>>
    tpu.wait_indirect_dma semaphore(%arg18 : memref<!tpu.dma_semaphore, #tpu.memory_space<semaphore_mem>>) src(%dma_wait3A_249 : memref<1000000x64xf32, #tpu.memory_space<hbm>>) dst(%dma_wait3A_243 : memref<128x64xf32, #tpu.memory_space<vmem>>)
    %dma_wait3A_250 = arith.constant 3 : i32
    %dma_wait3A_251 = arith.constant 384 : i32
    %dma_wait3A_252 = arith.constant 0 : i32
    %dma_wait3A_253 = tpu.memref_slice %arg16[%dma_wait3A_251, %dma_wait3A_252] : memref<512x64xf32, #tpu.memory_space<vmem>> -> memref<128x64xf32, #tpu.memory_space<vmem>>
    %dma_wait3A_254 = arith.constant 0 : i32
    %dma_wait3A_255 = tpu.memref_slice %arg13[%dma_wait3A_250, %dma_wait3A_254] : memref<4x128xi32, #tpu.memory_space<vmem>> -> memref<1x128xi32, #tpu.memory_space<vmem>>
    %dma_wait3A_256 = tpu.memref_squeeze %dma_wait3A_255 : memref<1x128xi32, #tpu.memory_space<vmem>> -> memref<128xi32, #tpu.memory_space<vmem>>
    %dma_wait3A_257 = arith.constant 0 : i32
    %dma_wait3A_258 = arith.constant 0 : i32
    %dma_wait3A_259 = tpu.memref_slice %arg8[%dma_wait3A_257, %dma_wait3A_258] : memref<1000000x64xf32, #tpu.memory_space<hbm>> -> memref<1000000x64xf32, #tpu.memory_space<hbm>>
    tpu.wait_indirect_dma semaphore(%arg18 : memref<!tpu.dma_semaphore, #tpu.memory_space<semaphore_mem>>) src(%dma_wait3A_259 : memref<1000000x64xf32, #tpu.memory_space<hbm>>) dst(%dma_wait3A_253 : memref<128x64xf32, #tpu.memory_space<vmem>>)
    %broadcast_in_dim3A = arith.constant 0.000000e+00 : f32
    %broadcast_in_dim3A_260 = vector.broadcast %broadcast_in_dim3A : f32 to vector<16xf32>
    %scan3A = arith.constant 0 : i32
    %scan3A_261 = arith.constant 512 : i32
    %scan3A_262 = arith.addi %scan3A, %scan3A_261 : i32
    %scan3A_263 = arith.constant 1 : i32
    %scan3A_264:4 = scf.for %scan3A_543 = %scan3A to %scan3A_262 step %scan3A_263 iter_args(%scan3A_544 = %broadcast_in_dim3A_260, %scan3A_545 = %broadcast_in_dim3A_260, %scan3A_546 = %broadcast_in_dim3A_260, %scan3A_547 = %broadcast_in_dim3A_260) -> (vector<16xf32>, vector<16xf32>, vector<16xf32>, vector<16xf32>)  : i32 {
      %get3A = arith.index_cast %scan3A_543 : i32 to index
      %get3A_548 = arith.constant 0 : index
      %get3A_549 = tpu.vector_load %arg14[%get3A, %get3A_548] {strides = array<i32>} : memref<512x64xf32, #tpu.memory_space<vmem>>, vector<1x16xf32>,
      %get3A_550 = vector.shape_cast %get3A_549 : vector<1x16xf32> to vector<16xf32>
      %get3A_551 = arith.index_cast %scan3A_543 : i32 to index
      %get3A_552 = arith.constant 0 : index
      %get3A_553 = tpu.vector_load %arg15[%get3A_551, %get3A_552] {strides = array<i32>} : memref<512x64xf32, #tpu.memory_space<vmem>>, vector<1x16xf32>,
      %get3A_554 = vector.shape_cast %get3A_553 : vector<1x16xf32> to vector<16xf32>
      %add3A_555 = arith.addf %get3A_550, %get3A_554 : vector<16xf32>
      %get3A_556 = arith.index_cast %scan3A_543 : i32 to index
      %get3A_557 = arith.constant 0 : index
      %get3A_558 = tpu.vector_load %arg16[%get3A_556, %get3A_557] {strides = array<i32>} : memref<512x64xf32, #tpu.memory_space<vmem>>, vector<1x16xf32>,
      %get3A_559 = vector.shape_cast %get3A_558 : vector<1x16xf32> to vector<16xf32>
      %sub3A_560 = arith.subf %add3A_555, %get3A_559 : vector<16xf32>
      %abs3A = math.absf %sub3A_560 : vector<16xf32>
      %add3A_561 = arith.addf %scan3A_544, %abs3A : vector<16xf32>
      %get3A_562 = arith.index_cast %scan3A_543 : i32 to index
      %get3A_563 = arith.constant 16 : index
      %get3A_564 = tpu.vector_load %arg14[%get3A_562, %get3A_563] {strides = array<i32>} : memref<512x64xf32, #tpu.memory_space<vmem>>, vector<1x16xf32>,
      %get3A_565 = vector.shape_cast %get3A_564 : vector<1x16xf32> to vector<16xf32>
      %get3A_566 = arith.index_cast %scan3A_543 : i32 to index
      %get3A_567 = arith.constant 16 : index
      %get3A_568 = tpu.vector_load %arg15[%get3A_566, %get3A_567] {strides = array<i32>} : memref<512x64xf32, #tpu.memory_space<vmem>>, vector<1x16xf32>,
      %get3A_569 = vector.shape_cast %get3A_568 : vector<1x16xf32> to vector<16xf32>
      %add3A_570 = arith.addf %get3A_565, %get3A_569 : vector<16xf32>
      %get3A_571 = arith.index_cast %scan3A_543 : i32 to index
      %get3A_572 = arith.constant 16 : index
      %get3A_573 = tpu.vector_load %arg16[%get3A_571, %get3A_572] {strides = array<i32>} : memref<512x64xf32, #tpu.memory_space<vmem>>, vector<1x16xf32>,
      %get3A_574 = vector.shape_cast %get3A_573 : vector<1x16xf32> to vector<16xf32>
      %sub3A_575 = arith.subf %add3A_570, %get3A_574 : vector<16xf32>
      %abs3A_576 = math.absf %sub3A_575 : vector<16xf32>
      %add3A_577 = arith.addf %scan3A_545, %abs3A_576 : vector<16xf32>
      %get3A_578 = arith.index_cast %scan3A_543 : i32 to index
      %get3A_579 = arith.constant 32 : index
      %get3A_580 = tpu.vector_load %arg14[%get3A_578, %get3A_579] {strides = array<i32>} : memref<512x64xf32, #tpu.memory_space<vmem>>, vector<1x16xf32>,
      %get3A_581 = vector.shape_cast %get3A_580 : vector<1x16xf32> to vector<16xf32>
      %get3A_582 = arith.index_cast %scan3A_543 : i32 to index
      %get3A_583 = arith.constant 32 : index
      %get3A_584 = tpu.vector_load %arg15[%get3A_582, %get3A_583] {strides = array<i32>} : memref<512x64xf32, #tpu.memory_space<vmem>>, vector<1x16xf32>,
      %get3A_585 = vector.shape_cast %get3A_584 : vector<1x16xf32> to vector<16xf32>
      %add3A_586 = arith.addf %get3A_581, %get3A_585 : vector<16xf32>
      %get3A_587 = arith.index_cast %scan3A_543 : i32 to index
      %get3A_588 = arith.constant 32 : index
      %get3A_589 = tpu.vector_load %arg16[%get3A_587, %get3A_588] {strides = array<i32>} : memref<512x64xf32, #tpu.memory_space<vmem>>, vector<1x16xf32>,
      %get3A_590 = vector.shape_cast %get3A_589 : vector<1x16xf32> to vector<16xf32>
      %sub3A_591 = arith.subf %add3A_586, %get3A_590 : vector<16xf32>
      %abs3A_592 = math.absf %sub3A_591 : vector<16xf32>
      %add3A_593 = arith.addf %scan3A_546, %abs3A_592 : vector<16xf32>
      %get3A_594 = arith.index_cast %scan3A_543 : i32 to index
      %get3A_595 = arith.constant 48 : index
      %get3A_596 = tpu.vector_load %arg14[%get3A_594, %get3A_595] {strides = array<i32>} : memref<512x64xf32, #tpu.memory_space<vmem>>, vector<1x16xf32>,
      %get3A_597 = vector.shape_cast %get3A_596 : vector<1x16xf32> to vector<16xf32>
      %get3A_598 = arith.index_cast %scan3A_543 : i32 to index
      %get3A_599 = arith.constant 48 : index
      %get3A_600 = tpu.vector_load %arg15[%get3A_598, %get3A_599] {strides = array<i32>} : memref<512x64xf32, #tpu.memory_space<vmem>>, vector<1x16xf32>,
      %get3A_601 = vector.shape_cast %get3A_600 : vector<1x16xf32> to vector<16xf32>
      %add3A_602 = arith.addf %get3A_597, %get3A_601 : vector<16xf32>
      %get3A_603 = arith.index_cast %scan3A_543 : i32 to index
      %get3A_604 = arith.constant 48 : index
      %get3A_605 = tpu.vector_load %arg16[%get3A_603, %get3A_604] {strides = array<i32>} : memref<512x64xf32, #tpu.memory_space<vmem>>, vector<1x16xf32>,
      %get3A_606 = vector.shape_cast %get3A_605 : vector<1x16xf32> to vector<16xf32>
      %sub3A_607 = arith.subf %add3A_602, %get3A_606 : vector<16xf32>
      %abs3A_608 = math.absf %sub3A_607 : vector<16xf32>
      %add3A_609 = arith.addf %scan3A_547, %abs3A_608 : vector<16xf32>
      scf.yield %add3A_561, %add3A_577, %add3A_593, %add3A_609 : vector<16xf32>, vector<16xf32>, vector<16xf32>, vector<16xf32>
    }
    %scan3A_265 = arith.constant 512 : i32
    %add3A_266 = arith.addf %scan3A_264#0, %scan3A_264#1 : vector<16xf32>
    %add3A_267 = arith.addf %add3A_266, %scan3A_264#2 : vector<16xf32>
    %add3A_268 = arith.addf %add3A_267, %scan3A_264#3 : vector<16xf32>
    %add3A_269 = arith.constant 0 : i32
    %add3A_270 = arith.addi %mul3A_2, %add3A_269 : i32
    %run_scoped3A_271 = arith.constant 0 : i32
    "tpu.region"() ({
      %run_scoped3A_543 = tpu.sem_alloc : memref<!tpu.dma_semaphore, #tpu.memory_space<semaphore_mem>>
      %dma_start3A_544 = arith.constant 0 : i32
      %dma_start3A_545 = tpu.memref_slice %arg11[%run_scoped3A_271, %dma_start3A_544] : memref<4x128xi32, #tpu.memory_space<vmem>> -> memref<1x128xi32, #tpu.memory_space<vmem>>
      %dma_start3A_546 = tpu.memref_squeeze %dma_start3A_545 : memref<1x128xi32, #tpu.memory_space<vmem>> -> memref<128xi32, #tpu.memory_space<vmem>>
      %dma_start3A_547 = tpu.memref_slice %arg5[%add3A_270] : memref<16384xi32, #tpu.memory_space<hbm>> -> memref<128xi32, #tpu.memory_space<hbm>>
      %dma_start3A_548 = arith.constant 0 : i32
      %dma_start3A_549 = tpu.memref_slice %arg11[%run_scoped3A_271, %dma_start3A_548] : memref<4x128xi32, #tpu.memory_space<vmem>> -> memref<1x128xi32, #tpu.memory_space<vmem>>
      %dma_start3A_550 = tpu.memref_squeeze %dma_start3A_549 : memref<1x128xi32, #tpu.memory_space<vmem>> -> memref<128xi32, #tpu.memory_space<vmem>>
      %dma_start3A_551 = tpu.memref_slice %arg5[%add3A_270] : memref<16384xi32, #tpu.memory_space<hbm>> -> memref<128xi32, #tpu.memory_space<hbm>>
      tpu.enqueue_dma source(%dma_start3A_551 : memref<128xi32, #tpu.memory_space<hbm>>) target(%dma_start3A_550 : memref<128xi32, #tpu.memory_space<vmem>>) target_semaphore(%run_scoped3A_543 : memref<!tpu.dma_semaphore, #tpu.memory_space<semaphore_mem>>)
      %dma_wait3A_552 = arith.constant 0 : i32
      %dma_wait3A_553 = tpu.memref_slice %arg11[%run_scoped3A_271, %dma_wait3A_552] : memref<4x128xi32, #tpu.memory_space<vmem>> -> memref<1x128xi32, #tpu.memory_space<vmem>>
      %dma_wait3A_554 = tpu.memref_squeeze %dma_wait3A_553 : memref<1x128xi32, #tpu.memory_space<vmem>> -> memref<128xi32, #tpu.memory_space<vmem>>
      %dma_wait3A_555 = tpu.memref_slice %arg5[%add3A_270] : memref<16384xi32, #tpu.memory_space<hbm>> -> memref<128xi32, #tpu.memory_space<hbm>>
      %dma_wait3A_556 = arith.constant 0 : i32
      %dma_wait3A_557 = tpu.memref_slice %arg11[%run_scoped3A_271, %dma_wait3A_556] : memref<4x128xi32, #tpu.memory_space<vmem>> -> memref<1x128xi32, #tpu.memory_space<vmem>>
      %dma_wait3A_558 = tpu.memref_squeeze %dma_wait3A_557 : memref<1x128xi32, #tpu.memory_space<vmem>> -> memref<128xi32, #tpu.memory_space<vmem>>
      %dma_wait3A_559 = tpu.memref_slice %arg5[%add3A_270] : memref<16384xi32, #tpu.memory_space<hbm>> -> memref<128xi32, #tpu.memory_space<hbm>>
      tpu.wait_dma2 semaphore(%run_scoped3A_543 : memref<!tpu.dma_semaphore, #tpu.memory_space<semaphore_mem>>) src(%dma_wait3A_559 : memref<128xi32, #tpu.memory_space<hbm>>) dst(%dma_wait3A_558 : memref<128xi32, #tpu.memory_space<vmem>>)
      tpu.yield
    }) : () -> ()
    %run_scoped3A_272 = arith.constant 0 : i32
    "tpu.region"() ({
      %run_scoped3A_543 = tpu.sem_alloc : memref<!tpu.dma_semaphore, #tpu.memory_space<semaphore_mem>>
      %dma_start3A_544 = arith.constant 0 : i32
      %dma_start3A_545 = tpu.memref_slice %arg12[%run_scoped3A_272, %dma_start3A_544] : memref<4x128xi32, #tpu.memory_space<vmem>> -> memref<1x128xi32, #tpu.memory_space<vmem>>
      %dma_start3A_546 = tpu.memref_squeeze %dma_start3A_545 : memref<1x128xi32, #tpu.memory_space<vmem>> -> memref<128xi32, #tpu.memory_space<vmem>>
      %dma_start3A_547 = tpu.memref_slice %arg6[%add3A_270] : memref<16384xi32, #tpu.memory_space<hbm>> -> memref<128xi32, #tpu.memory_space<hbm>>
      %dma_start3A_548 = arith.constant 0 : i32
      %dma_start3A_549 = tpu.memref_slice %arg12[%run_scoped3A_272, %dma_start3A_548] : memref<4x128xi32, #tpu.memory_space<vmem>> -> memref<1x128xi32, #tpu.memory_space<vmem>>
      %dma_start3A_550 = tpu.memref_squeeze %dma_start3A_549 : memref<1x128xi32, #tpu.memory_space<vmem>> -> memref<128xi32, #tpu.memory_space<vmem>>
      %dma_start3A_551 = tpu.memref_slice %arg6[%add3A_270] : memref<16384xi32, #tpu.memory_space<hbm>> -> memref<128xi32, #tpu.memory_space<hbm>>
      tpu.enqueue_dma source(%dma_start3A_551 : memref<128xi32, #tpu.memory_space<hbm>>) target(%dma_start3A_550 : memref<128xi32, #tpu.memory_space<vmem>>) target_semaphore(%run_scoped3A_543 : memref<!tpu.dma_semaphore, #tpu.memory_space<semaphore_mem>>)
      %dma_wait3A_552 = arith.constant 0 : i32
      %dma_wait3A_553 = tpu.memref_slice %arg12[%run_scoped3A_272, %dma_wait3A_552] : memref<4x128xi32, #tpu.memory_space<vmem>> -> memref<1x128xi32, #tpu.memory_space<vmem>>
      %dma_wait3A_554 = tpu.memref_squeeze %dma_wait3A_553 : memref<1x128xi32, #tpu.memory_space<vmem>> -> memref<128xi32, #tpu.memory_space<vmem>>
      %dma_wait3A_555 = tpu.memref_slice %arg6[%add3A_270] : memref<16384xi32, #tpu.memory_space<hbm>> -> memref<128xi32, #tpu.memory_space<hbm>>
      %dma_wait3A_556 = arith.constant 0 : i32
      %dma_wait3A_557 = tpu.memref_slice %arg12[%run_scoped3A_272, %dma_wait3A_556] : memref<4x128xi32, #tpu.memory_space<vmem>> -> memref<1x128xi32, #tpu.memory_space<vmem>>
      %dma_wait3A_558 = tpu.memref_squeeze %dma_wait3A_557 : memref<1x128xi32, #tpu.memory_space<vmem>> -> memref<128xi32, #tpu.memory_space<vmem>>
      %dma_wait3A_559 = tpu.memref_slice %arg6[%add3A_270] : memref<16384xi32, #tpu.memory_space<hbm>> -> memref<128xi32, #tpu.memory_space<hbm>>
      tpu.wait_dma2 semaphore(%run_scoped3A_543 : memref<!tpu.dma_semaphore, #tpu.memory_space<semaphore_mem>>) src(%dma_wait3A_559 : memref<128xi32, #tpu.memory_space<hbm>>) dst(%dma_wait3A_558 : memref<128xi32, #tpu.memory_space<vmem>>)
      tpu.yield
    }) : () -> ()
    %run_scoped3A_273 = arith.constant 0 : i32
    "tpu.region"() ({
      %run_scoped3A_543 = tpu.sem_alloc : memref<!tpu.dma_semaphore, #tpu.memory_space<semaphore_mem>>
      %dma_start3A_544 = arith.constant 0 : i32
      %dma_start3A_545 = tpu.memref_slice %arg13[%run_scoped3A_273, %dma_start3A_544] : memref<4x128xi32, #tpu.memory_space<vmem>> -> memref<1x128xi32, #tpu.memory_space<vmem>>
      %dma_start3A_546 = tpu.memref_squeeze %dma_start3A_545 : memref<1x128xi32, #tpu.memory_space<vmem>> -> memref<128xi32, #tpu.memory_space<vmem>>
      %dma_start3A_547 = tpu.memref_slice %arg7[%add3A_270] : memref<16384xi32, #tpu.memory_space<hbm>> -> memref<128xi32, #tpu.memory_space<hbm>>
      %dma_start3A_548 = arith.constant 0 : i32
      %dma_start3A_549 = tpu.memref_slice %arg13[%run_scoped3A_273, %dma_start3A_548] : memref<4x128xi32, #tpu.memory_space<vmem>> -> memref<1x128xi32, #tpu.memory_space<vmem>>
      %dma_start3A_550 = tpu.memref_squeeze %dma_start3A_549 : memref<1x128xi32, #tpu.memory_space<vmem>> -> memref<128xi32, #tpu.memory_space<vmem>>
      %dma_start3A_551 = tpu.memref_slice %arg7[%add3A_270] : memref<16384xi32, #tpu.memory_space<hbm>> -> memref<128xi32, #tpu.memory_space<hbm>>
      tpu.enqueue_dma source(%dma_start3A_551 : memref<128xi32, #tpu.memory_space<hbm>>) target(%dma_start3A_550 : memref<128xi32, #tpu.memory_space<vmem>>) target_semaphore(%run_scoped3A_543 : memref<!tpu.dma_semaphore, #tpu.memory_space<semaphore_mem>>)
      %dma_wait3A_552 = arith.constant 0 : i32
      %dma_wait3A_553 = tpu.memref_slice %arg13[%run_scoped3A_273, %dma_wait3A_552] : memref<4x128xi32, #tpu.memory_space<vmem>> -> memref<1x128xi32, #tpu.memory_space<vmem>>
      %dma_wait3A_554 = tpu.memref_squeeze %dma_wait3A_553 : memref<1x128xi32, #tpu.memory_space<vmem>> -> memref<128xi32, #tpu.memory_space<vmem>>
      %dma_wait3A_555 = tpu.memref_slice %arg7[%add3A_270] : memref<16384xi32, #tpu.memory_space<hbm>> -> memref<128xi32, #tpu.memory_space<hbm>>
      %dma_wait3A_556 = arith.constant 0 : i32
      %dma_wait3A_557 = tpu.memref_slice %arg13[%run_scoped3A_273, %dma_wait3A_556] : memref<4x128xi32, #tpu.memory_space<vmem>> -> memref<1x128xi32, #tpu.memory_space<vmem>>
      %dma_wait3A_558 = tpu.memref_squeeze %dma_wait3A_557 : memref<1x128xi32, #tpu.memory_space<vmem>> -> memref<128xi32, #tpu.memory_space<vmem>>
      %dma_wait3A_559 = tpu.memref_slice %arg7[%add3A_270] : memref<16384xi32, #tpu.memory_space<hbm>> -> memref<128xi32, #tpu.memory_space<hbm>>
      tpu.wait_dma2 semaphore(%run_scoped3A_543 : memref<!tpu.dma_semaphore, #tpu.memory_space<semaphore_mem>>) src(%dma_wait3A_559 : memref<128xi32, #tpu.memory_space<hbm>>) dst(%dma_wait3A_558 : memref<128xi32, #tpu.memory_space<vmem>>)
      tpu.yield
    }) : () -> ()
    %add3A_274 = arith.constant 128 : i32
    %add3A_275 = arith.addi %mul3A_2, %add3A_274 : i32
    %run_scoped3A_276 = arith.constant 1 : i32
    "tpu.region"() ({
      %run_scoped3A_543 = tpu.sem_alloc : memref<!tpu.dma_semaphore, #tpu.memory_space<semaphore_mem>>
      %dma_start3A_544 = arith.constant 0 : i32
      %dma_start3A_545 = tpu.memref_slice %arg11[%run_scoped3A_276, %dma_start3A_544] : memref<4x128xi32, #tpu.memory_space<vmem>> -> memref<1x128xi32, #tpu.memory_space<vmem>>
      %dma_start3A_546 = tpu.memref_squeeze %dma_start3A_545 : memref<1x128xi32, #tpu.memory_space<vmem>> -> memref<128xi32, #tpu.memory_space<vmem>>
      %dma_start3A_547 = tpu.memref_slice %arg5[%add3A_275] : memref<16384xi32, #tpu.memory_space<hbm>> -> memref<128xi32, #tpu.memory_space<hbm>>
      %dma_start3A_548 = arith.constant 0 : i32
      %dma_start3A_549 = tpu.memref_slice %arg11[%run_scoped3A_276, %dma_start3A_548] : memref<4x128xi32, #tpu.memory_space<vmem>> -> memref<1x128xi32, #tpu.memory_space<vmem>>
      %dma_start3A_550 = tpu.memref_squeeze %dma_start3A_549 : memref<1x128xi32, #tpu.memory_space<vmem>> -> memref<128xi32, #tpu.memory_space<vmem>>
      %dma_start3A_551 = tpu.memref_slice %arg5[%add3A_275] : memref<16384xi32, #tpu.memory_space<hbm>> -> memref<128xi32, #tpu.memory_space<hbm>>
      tpu.enqueue_dma source(%dma_start3A_551 : memref<128xi32, #tpu.memory_space<hbm>>) target(%dma_start3A_550 : memref<128xi32, #tpu.memory_space<vmem>>) target_semaphore(%run_scoped3A_543 : memref<!tpu.dma_semaphore, #tpu.memory_space<semaphore_mem>>)
      %dma_wait3A_552 = arith.constant 0 : i32
      %dma_wait3A_553 = tpu.memref_slice %arg11[%run_scoped3A_276, %dma_wait3A_552] : memref<4x128xi32, #tpu.memory_space<vmem>> -> memref<1x128xi32, #tpu.memory_space<vmem>>
      %dma_wait3A_554 = tpu.memref_squeeze %dma_wait3A_553 : memref<1x128xi32, #tpu.memory_space<vmem>> -> memref<128xi32, #tpu.memory_space<vmem>>
      %dma_wait3A_555 = tpu.memref_slice %arg5[%add3A_275] : memref<16384xi32, #tpu.memory_space<hbm>> -> memref<128xi32, #tpu.memory_space<hbm>>
      %dma_wait3A_556 = arith.constant 0 : i32
      %dma_wait3A_557 = tpu.memref_slice %arg11[%run_scoped3A_276, %dma_wait3A_556] : memref<4x128xi32, #tpu.memory_space<vmem>> -> memref<1x128xi32, #tpu.memory_space<vmem>>
      %dma_wait3A_558 = tpu.memref_squeeze %dma_wait3A_557 : memref<1x128xi32, #tpu.memory_space<vmem>> -> memref<128xi32, #tpu.memory_space<vmem>>
      %dma_wait3A_559 = tpu.memref_slice %arg5[%add3A_275] : memref<16384xi32, #tpu.memory_space<hbm>> -> memref<128xi32, #tpu.memory_space<hbm>>
      tpu.wait_dma2 semaphore(%run_scoped3A_543 : memref<!tpu.dma_semaphore, #tpu.memory_space<semaphore_mem>>) src(%dma_wait3A_559 : memref<128xi32, #tpu.memory_space<hbm>>) dst(%dma_wait3A_558 : memref<128xi32, #tpu.memory_space<vmem>>)
      tpu.yield
    }) : () -> ()
    %run_scoped3A_277 = arith.constant 1 : i32
    "tpu.region"() ({
      %run_scoped3A_543 = tpu.sem_alloc : memref<!tpu.dma_semaphore, #tpu.memory_space<semaphore_mem>>
      %dma_start3A_544 = arith.constant 0 : i32
      %dma_start3A_545 = tpu.memref_slice %arg12[%run_scoped3A_277, %dma_start3A_544] : memref<4x128xi32, #tpu.memory_space<vmem>> -> memref<1x128xi32, #tpu.memory_space<vmem>>
      %dma_start3A_546 = tpu.memref_squeeze %dma_start3A_545 : memref<1x128xi32, #tpu.memory_space<vmem>> -> memref<128xi32, #tpu.memory_space<vmem>>
      %dma_start3A_547 = tpu.memref_slice %arg6[%add3A_275] : memref<16384xi32, #tpu.memory_space<hbm>> -> memref<128xi32, #tpu.memory_space<hbm>>
      %dma_start3A_548 = arith.constant 0 : i32
      %dma_start3A_549 = tpu.memref_slice %arg12[%run_scoped3A_277, %dma_start3A_548] : memref<4x128xi32, #tpu.memory_space<vmem>> -> memref<1x128xi32, #tpu.memory_space<vmem>>
      %dma_start3A_550 = tpu.memref_squeeze %dma_start3A_549 : memref<1x128xi32, #tpu.memory_space<vmem>> -> memref<128xi32, #tpu.memory_space<vmem>>
      %dma_start3A_551 = tpu.memref_slice %arg6[%add3A_275] : memref<16384xi32, #tpu.memory_space<hbm>> -> memref<128xi32, #tpu.memory_space<hbm>>
      tpu.enqueue_dma source(%dma_start3A_551 : memref<128xi32, #tpu.memory_space<hbm>>) target(%dma_start3A_550 : memref<128xi32, #tpu.memory_space<vmem>>) target_semaphore(%run_scoped3A_543 : memref<!tpu.dma_semaphore, #tpu.memory_space<semaphore_mem>>)
      %dma_wait3A_552 = arith.constant 0 : i32
      %dma_wait3A_553 = tpu.memref_slice %arg12[%run_scoped3A_277, %dma_wait3A_552] : memref<4x128xi32, #tpu.memory_space<vmem>> -> memref<1x128xi32, #tpu.memory_space<vmem>>
      %dma_wait3A_554 = tpu.memref_squeeze %dma_wait3A_553 : memref<1x128xi32, #tpu.memory_space<vmem>> -> memref<128xi32, #tpu.memory_space<vmem>>
      %dma_wait3A_555 = tpu.memref_slice %arg6[%add3A_275] : memref<16384xi32, #tpu.memory_space<hbm>> -> memref<128xi32, #tpu.memory_space<hbm>>
      %dma_wait3A_556 = arith.constant 0 : i32
      %dma_wait3A_557 = tpu.memref_slice %arg12[%run_scoped3A_277, %dma_wait3A_556] : memref<4x128xi32, #tpu.memory_space<vmem>> -> memref<1x128xi32, #tpu.memory_space<vmem>>
      %dma_wait3A_558 = tpu.memref_squeeze %dma_wait3A_557 : memref<1x128xi32, #tpu.memory_space<vmem>> -> memref<128xi32, #tpu.memory_space<vmem>>
      %dma_wait3A_559 = tpu.memref_slice %arg6[%add3A_275] : memref<16384xi32, #tpu.memory_space<hbm>> -> memref<128xi32, #tpu.memory_space<hbm>>
      tpu.wait_dma2 semaphore(%run_scoped3A_543 : memref<!tpu.dma_semaphore, #tpu.memory_space<semaphore_mem>>) src(%dma_wait3A_559 : memref<128xi32, #tpu.memory_space<hbm>>) dst(%dma_wait3A_558 : memref<128xi32, #tpu.memory_space<vmem>>)
      tpu.yield
    }) : () -> ()
    %run_scoped3A_278 = arith.constant 1 : i32
    "tpu.region"() ({
      %run_scoped3A_543 = tpu.sem_alloc : memref<!tpu.dma_semaphore, #tpu.memory_space<semaphore_mem>>
      %dma_start3A_544 = arith.constant 0 : i32
      %dma_start3A_545 = tpu.memref_slice %arg13[%run_scoped3A_278, %dma_start3A_544] : memref<4x128xi32, #tpu.memory_space<vmem>> -> memref<1x128xi32, #tpu.memory_space<vmem>>
      %dma_start3A_546 = tpu.memref_squeeze %dma_start3A_545 : memref<1x128xi32, #tpu.memory_space<vmem>> -> memref<128xi32, #tpu.memory_space<vmem>>
      %dma_start3A_547 = tpu.memref_slice %arg7[%add3A_275] : memref<16384xi32, #tpu.memory_space<hbm>> -> memref<128xi32, #tpu.memory_space<hbm>>
      %dma_start3A_548 = arith.constant 0 : i32
      %dma_start3A_549 = tpu.memref_slice %arg13[%run_scoped3A_278, %dma_start3A_548] : memref<4x128xi32, #tpu.memory_space<vmem>> -> memref<1x128xi32, #tpu.memory_space<vmem>>
      %dma_start3A_550 = tpu.memref_squeeze %dma_start3A_549 : memref<1x128xi32, #tpu.memory_space<vmem>> -> memref<128xi32, #tpu.memory_space<vmem>>
      %dma_start3A_551 = tpu.memref_slice %arg7[%add3A_275] : memref<16384xi32, #tpu.memory_space<hbm>> -> memref<128xi32, #tpu.memory_space<hbm>>
      tpu.enqueue_dma source(%dma_start3A_551 : memref<128xi32, #tpu.memory_space<hbm>>) target(%dma_start3A_550 : memref<128xi32, #tpu.memory_space<vmem>>) target_semaphore(%run_scoped3A_543 : memref<!tpu.dma_semaphore, #tpu.memory_space<semaphore_mem>>)
      %dma_wait3A_552 = arith.constant 0 : i32
      %dma_wait3A_553 = tpu.memref_slice %arg13[%run_scoped3A_278, %dma_wait3A_552] : memref<4x128xi32, #tpu.memory_space<vmem>> -> memref<1x128xi32, #tpu.memory_space<vmem>>
      %dma_wait3A_554 = tpu.memref_squeeze %dma_wait3A_553 : memref<1x128xi32, #tpu.memory_space<vmem>> -> memref<128xi32, #tpu.memory_space<vmem>>
      %dma_wait3A_555 = tpu.memref_slice %arg7[%add3A_275] : memref<16384xi32, #tpu.memory_space<hbm>> -> memref<128xi32, #tpu.memory_space<hbm>>
      %dma_wait3A_556 = arith.constant 0 : i32
      %dma_wait3A_557 = tpu.memref_slice %arg13[%run_scoped3A_278, %dma_wait3A_556] : memref<4x128xi32, #tpu.memory_space<vmem>> -> memref<1x128xi32, #tpu.memory_space<vmem>>
      %dma_wait3A_558 = tpu.memref_squeeze %dma_wait3A_557 : memref<1x128xi32, #tpu.memory_space<vmem>> -> memref<128xi32, #tpu.memory_space<vmem>>
      %dma_wait3A_559 = tpu.memref_slice %arg7[%add3A_275] : memref<16384xi32, #tpu.memory_space<hbm>> -> memref<128xi32, #tpu.memory_space<hbm>>
      tpu.wait_dma2 semaphore(%run_scoped3A_543 : memref<!tpu.dma_semaphore, #tpu.memory_space<semaphore_mem>>) src(%dma_wait3A_559 : memref<128xi32, #tpu.memory_space<hbm>>) dst(%dma_wait3A_558 : memref<128xi32, #tpu.memory_space<vmem>>)
      tpu.yield
    }) : () -> ()
    %add3A_279 = arith.constant 256 : i32
    %add3A_280 = arith.addi %mul3A_2, %add3A_279 : i32
    %run_scoped3A_281 = arith.constant 2 : i32
    "tpu.region"() ({
      %run_scoped3A_543 = tpu.sem_alloc : memref<!tpu.dma_semaphore, #tpu.memory_space<semaphore_mem>>
      %dma_start3A_544 = arith.constant 0 : i32
      %dma_start3A_545 = tpu.memref_slice %arg11[%run_scoped3A_281, %dma_start3A_544] : memref<4x128xi32, #tpu.memory_space<vmem>> -> memref<1x128xi32, #tpu.memory_space<vmem>>
      %dma_start3A_546 = tpu.memref_squeeze %dma_start3A_545 : memref<1x128xi32, #tpu.memory_space<vmem>> -> memref<128xi32, #tpu.memory_space<vmem>>
      %dma_start3A_547 = tpu.memref_slice %arg5[%add3A_280] : memref<16384xi32, #tpu.memory_space<hbm>> -> memref<128xi32, #tpu.memory_space<hbm>>
      %dma_start3A_548 = arith.constant 0 : i32
      %dma_start3A_549 = tpu.memref_slice %arg11[%run_scoped3A_281, %dma_start3A_548] : memref<4x128xi32, #tpu.memory_space<vmem>> -> memref<1x128xi32, #tpu.memory_space<vmem>>
      %dma_start3A_550 = tpu.memref_squeeze %dma_start3A_549 : memref<1x128xi32, #tpu.memory_space<vmem>> -> memref<128xi32, #tpu.memory_space<vmem>>
      %dma_start3A_551 = tpu.memref_slice %arg5[%add3A_280] : memref<16384xi32, #tpu.memory_space<hbm>> -> memref<128xi32, #tpu.memory_space<hbm>>
      tpu.enqueue_dma source(%dma_start3A_551 : memref<128xi32, #tpu.memory_space<hbm>>) target(%dma_start3A_550 : memref<128xi32, #tpu.memory_space<vmem>>) target_semaphore(%run_scoped3A_543 : memref<!tpu.dma_semaphore, #tpu.memory_space<semaphore_mem>>)
      %dma_wait3A_552 = arith.constant 0 : i32
      %dma_wait3A_553 = tpu.memref_slice %arg11[%run_scoped3A_281, %dma_wait3A_552] : memref<4x128xi32, #tpu.memory_space<vmem>> -> memref<1x128xi32, #tpu.memory_space<vmem>>
      %dma_wait3A_554 = tpu.memref_squeeze %dma_wait3A_553 : memref<1x128xi32, #tpu.memory_space<vmem>> -> memref<128xi32, #tpu.memory_space<vmem>>
      %dma_wait3A_555 = tpu.memref_slice %arg5[%add3A_280] : memref<16384xi32, #tpu.memory_space<hbm>> -> memref<128xi32, #tpu.memory_space<hbm>>
      %dma_wait3A_556 = arith.constant 0 : i32
      %dma_wait3A_557 = tpu.memref_slice %arg11[%run_scoped3A_281, %dma_wait3A_556] : memref<4x128xi32, #tpu.memory_space<vmem>> -> memref<1x128xi32, #tpu.memory_space<vmem>>
      %dma_wait3A_558 = tpu.memref_squeeze %dma_wait3A_557 : memref<1x128xi32, #tpu.memory_space<vmem>> -> memref<128xi32, #tpu.memory_space<vmem>>
      %dma_wait3A_559 = tpu.memref_slice %arg5[%add3A_280] : memref<16384xi32, #tpu.memory_space<hbm>> -> memref<128xi32, #tpu.memory_space<hbm>>
      tpu.wait_dma2 semaphore(%run_scoped3A_543 : memref<!tpu.dma_semaphore, #tpu.memory_space<semaphore_mem>>) src(%dma_wait3A_559 : memref<128xi32, #tpu.memory_space<hbm>>) dst(%dma_wait3A_558 : memref<128xi32, #tpu.memory_space<vmem>>)
      tpu.yield
    }) : () -> ()
    %run_scoped3A_282 = arith.constant 2 : i32
    "tpu.region"() ({
      %run_scoped3A_543 = tpu.sem_alloc : memref<!tpu.dma_semaphore, #tpu.memory_space<semaphore_mem>>
      %dma_start3A_544 = arith.constant 0 : i32
      %dma_start3A_545 = tpu.memref_slice %arg12[%run_scoped3A_282, %dma_start3A_544] : memref<4x128xi32, #tpu.memory_space<vmem>> -> memref<1x128xi32, #tpu.memory_space<vmem>>
      %dma_start3A_546 = tpu.memref_squeeze %dma_start3A_545 : memref<1x128xi32, #tpu.memory_space<vmem>> -> memref<128xi32, #tpu.memory_space<vmem>>
      %dma_start3A_547 = tpu.memref_slice %arg6[%add3A_280] : memref<16384xi32, #tpu.memory_space<hbm>> -> memref<128xi32, #tpu.memory_space<hbm>>
      %dma_start3A_548 = arith.constant 0 : i32
      %dma_start3A_549 = tpu.memref_slice %arg12[%run_scoped3A_282, %dma_start3A_548] : memref<4x128xi32, #tpu.memory_space<vmem>> -> memref<1x128xi32, #tpu.memory_space<vmem>>
      %dma_start3A_550 = tpu.memref_squeeze %dma_start3A_549 : memref<1x128xi32, #tpu.memory_space<vmem>> -> memref<128xi32, #tpu.memory_space<vmem>>
      %dma_start3A_551 = tpu.memref_slice %arg6[%add3A_280] : memref<16384xi32, #tpu.memory_space<hbm>> -> memref<128xi32, #tpu.memory_space<hbm>>
      tpu.enqueue_dma source(%dma_start3A_551 : memref<128xi32, #tpu.memory_space<hbm>>) target(%dma_start3A_550 : memref<128xi32, #tpu.memory_space<vmem>>) target_semaphore(%run_scoped3A_543 : memref<!tpu.dma_semaphore, #tpu.memory_space<semaphore_mem>>)
      %dma_wait3A_552 = arith.constant 0 : i32
      %dma_wait3A_553 = tpu.memref_slice %arg12[%run_scoped3A_282, %dma_wait3A_552] : memref<4x128xi32, #tpu.memory_space<vmem>> -> memref<1x128xi32, #tpu.memory_space<vmem>>
      %dma_wait3A_554 = tpu.memref_squeeze %dma_wait3A_553 : memref<1x128xi32, #tpu.memory_space<vmem>> -> memref<128xi32, #tpu.memory_space<vmem>>
      %dma_wait3A_555 = tpu.memref_slice %arg6[%add3A_280] : memref<16384xi32, #tpu.memory_space<hbm>> -> memref<128xi32, #tpu.memory_space<hbm>>
      %dma_wait3A_556 = arith.constant 0 : i32
      %dma_wait3A_557 = tpu.memref_slice %arg12[%run_scoped3A_282, %dma_wait3A_556] : memref<4x128xi32, #tpu.memory_space<vmem>> -> memref<1x128xi32, #tpu.memory_space<vmem>>
      %dma_wait3A_558 = tpu.memref_squeeze %dma_wait3A_557 : memref<1x128xi32, #tpu.memory_space<vmem>> -> memref<128xi32, #tpu.memory_space<vmem>>
      %dma_wait3A_559 = tpu.memref_slice %arg6[%add3A_280] : memref<16384xi32, #tpu.memory_space<hbm>> -> memref<128xi32, #tpu.memory_space<hbm>>
      tpu.wait_dma2 semaphore(%run_scoped3A_543 : memref<!tpu.dma_semaphore, #tpu.memory_space<semaphore_mem>>) src(%dma_wait3A_559 : memref<128xi32, #tpu.memory_space<hbm>>) dst(%dma_wait3A_558 : memref<128xi32, #tpu.memory_space<vmem>>)
      tpu.yield
    }) : () -> ()
    %run_scoped3A_283 = arith.constant 2 : i32
    "tpu.region"() ({
      %run_scoped3A_543 = tpu.sem_alloc : memref<!tpu.dma_semaphore, #tpu.memory_space<semaphore_mem>>
      %dma_start3A_544 = arith.constant 0 : i32
      %dma_start3A_545 = tpu.memref_slice %arg13[%run_scoped3A_283, %dma_start3A_544] : memref<4x128xi32, #tpu.memory_space<vmem>> -> memref<1x128xi32, #tpu.memory_space<vmem>>
      %dma_start3A_546 = tpu.memref_squeeze %dma_start3A_545 : memref<1x128xi32, #tpu.memory_space<vmem>> -> memref<128xi32, #tpu.memory_space<vmem>>
      %dma_start3A_547 = tpu.memref_slice %arg7[%add3A_280] : memref<16384xi32, #tpu.memory_space<hbm>> -> memref<128xi32, #tpu.memory_space<hbm>>
      %dma_start3A_548 = arith.constant 0 : i32
      %dma_start3A_549 = tpu.memref_slice %arg13[%run_scoped3A_283, %dma_start3A_548] : memref<4x128xi32, #tpu.memory_space<vmem>> -> memref<1x128xi32, #tpu.memory_space<vmem>>
      %dma_start3A_550 = tpu.memref_squeeze %dma_start3A_549 : memref<1x128xi32, #tpu.memory_space<vmem>> -> memref<128xi32, #tpu.memory_space<vmem>>
      %dma_start3A_551 = tpu.memref_slice %arg7[%add3A_280] : memref<16384xi32, #tpu.memory_space<hbm>> -> memref<128xi32, #tpu.memory_space<hbm>>
      tpu.enqueue_dma source(%dma_start3A_551 : memref<128xi32, #tpu.memory_space<hbm>>) target(%dma_start3A_550 : memref<128xi32, #tpu.memory_space<vmem>>) target_semaphore(%run_scoped3A_543 : memref<!tpu.dma_semaphore, #tpu.memory_space<semaphore_mem>>)
      %dma_wait3A_552 = arith.constant 0 : i32
      %dma_wait3A_553 = tpu.memref_slice %arg13[%run_scoped3A_283, %dma_wait3A_552] : memref<4x128xi32, #tpu.memory_space<vmem>> -> memref<1x128xi32, #tpu.memory_space<vmem>>
      %dma_wait3A_554 = tpu.memref_squeeze %dma_wait3A_553 : memref<1x128xi32, #tpu.memory_space<vmem>> -> memref<128xi32, #tpu.memory_space<vmem>>
      %dma_wait3A_555 = tpu.memref_slice %arg7[%add3A_280] : memref<16384xi32, #tpu.memory_space<hbm>> -> memref<128xi32, #tpu.memory_space<hbm>>
      %dma_wait3A_556 = arith.constant 0 : i32
      %dma_wait3A_557 = tpu.memref_slice %arg13[%run_scoped3A_283, %dma_wait3A_556] : memref<4x128xi32, #tpu.memory_space<vmem>> -> memref<1x128xi32, #tpu.memory_space<vmem>>
      %dma_wait3A_558 = tpu.memref_squeeze %dma_wait3A_557 : memref<1x128xi32, #tpu.memory_space<vmem>> -> memref<128xi32, #tpu.memory_space<vmem>>
      %dma_wait3A_559 = tpu.memref_slice %arg7[%add3A_280] : memref<16384xi32, #tpu.memory_space<hbm>> -> memref<128xi32, #tpu.memory_space<hbm>>
      tpu.wait_dma2 semaphore(%run_scoped3A_543 : memref<!tpu.dma_semaphore, #tpu.memory_space<semaphore_mem>>) src(%dma_wait3A_559 : memref<128xi32, #tpu.memory_space<hbm>>) dst(%dma_wait3A_558 : memref<128xi32, #tpu.memory_space<vmem>>)
      tpu.yield
    }) : () -> ()
    %add3A_284 = arith.constant 384 : i32
    %add3A_285 = arith.addi %mul3A_2, %add3A_284 : i32
    %run_scoped3A_286 = arith.constant 3 : i32
    "tpu.region"() ({
      %run_scoped3A_543 = tpu.sem_alloc : memref<!tpu.dma_semaphore, #tpu.memory_space<semaphore_mem>>
      %dma_start3A_544 = arith.constant 0 : i32
      %dma_start3A_545 = tpu.memref_slice %arg11[%run_scoped3A_286, %dma_start3A_544] : memref<4x128xi32, #tpu.memory_space<vmem>> -> memref<1x128xi32, #tpu.memory_space<vmem>>
      %dma_start3A_546 = tpu.memref_squeeze %dma_start3A_545 : memref<1x128xi32, #tpu.memory_space<vmem>> -> memref<128xi32, #tpu.memory_space<vmem>>
      %dma_start3A_547 = tpu.memref_slice %arg5[%add3A_285] : memref<16384xi32, #tpu.memory_space<hbm>> -> memref<128xi32, #tpu.memory_space<hbm>>
      %dma_start3A_548 = arith.constant 0 : i32
      %dma_start3A_549 = tpu.memref_slice %arg11[%run_scoped3A_286, %dma_start3A_548] : memref<4x128xi32, #tpu.memory_space<vmem>> -> memref<1x128xi32, #tpu.memory_space<vmem>>
      %dma_start3A_550 = tpu.memref_squeeze %dma_start3A_549 : memref<1x128xi32, #tpu.memory_space<vmem>> -> memref<128xi32, #tpu.memory_space<vmem>>
      %dma_start3A_551 = tpu.memref_slice %arg5[%add3A_285] : memref<16384xi32, #tpu.memory_space<hbm>> -> memref<128xi32, #tpu.memory_space<hbm>>
      tpu.enqueue_dma source(%dma_start3A_551 : memref<128xi32, #tpu.memory_space<hbm>>) target(%dma_start3A_550 : memref<128xi32, #tpu.memory_space<vmem>>) target_semaphore(%run_scoped3A_543 : memref<!tpu.dma_semaphore, #tpu.memory_space<semaphore_mem>>)
      %dma_wait3A_552 = arith.constant 0 : i32
      %dma_wait3A_553 = tpu.memref_slice %arg11[%run_scoped3A_286, %dma_wait3A_552] : memref<4x128xi32, #tpu.memory_space<vmem>> -> memref<1x128xi32, #tpu.memory_space<vmem>>
      %dma_wait3A_554 = tpu.memref_squeeze %dma_wait3A_553 : memref<1x128xi32, #tpu.memory_space<vmem>> -> memref<128xi32, #tpu.memory_space<vmem>>
      %dma_wait3A_555 = tpu.memref_slice %arg5[%add3A_285] : memref<16384xi32, #tpu.memory_space<hbm>> -> memref<128xi32, #tpu.memory_space<hbm>>
      %dma_wait3A_556 = arith.constant 0 : i32
      %dma_wait3A_557 = tpu.memref_slice %arg11[%run_scoped3A_286, %dma_wait3A_556] : memref<4x128xi32, #tpu.memory_space<vmem>> -> memref<1x128xi32, #tpu.memory_space<vmem>>
      %dma_wait3A_558 = tpu.memref_squeeze %dma_wait3A_557 : memref<1x128xi32, #tpu.memory_space<vmem>> -> memref<128xi32, #tpu.memory_space<vmem>>
      %dma_wait3A_559 = tpu.memref_slice %arg5[%add3A_285] : memref<16384xi32, #tpu.memory_space<hbm>> -> memref<128xi32, #tpu.memory_space<hbm>>
      tpu.wait_dma2 semaphore(%run_scoped3A_543 : memref<!tpu.dma_semaphore, #tpu.memory_space<semaphore_mem>>) src(%dma_wait3A_559 : memref<128xi32, #tpu.memory_space<hbm>>) dst(%dma_wait3A_558 : memref<128xi32, #tpu.memory_space<vmem>>)
      tpu.yield
    }) : () -> ()
    %run_scoped3A_287 = arith.constant 3 : i32
    "tpu.region"() ({
      %run_scoped3A_543 = tpu.sem_alloc : memref<!tpu.dma_semaphore, #tpu.memory_space<semaphore_mem>>
      %dma_start3A_544 = arith.constant 0 : i32
      %dma_start3A_545 = tpu.memref_slice %arg12[%run_scoped3A_287, %dma_start3A_544] : memref<4x128xi32, #tpu.memory_space<vmem>> -> memref<1x128xi32, #tpu.memory_space<vmem>>
      %dma_start3A_546 = tpu.memref_squeeze %dma_start3A_545 : memref<1x128xi32, #tpu.memory_space<vmem>> -> memref<128xi32, #tpu.memory_space<vmem>>
      %dma_start3A_547 = tpu.memref_slice %arg6[%add3A_285] : memref<16384xi32, #tpu.memory_space<hbm>> -> memref<128xi32, #tpu.memory_space<hbm>>
      %dma_start3A_548 = arith.constant 0 : i32
      %dma_start3A_549 = tpu.memref_slice %arg12[%run_scoped3A_287, %dma_start3A_548] : memref<4x128xi32, #tpu.memory_space<vmem>> -> memref<1x128xi32, #tpu.memory_space<vmem>>
      %dma_start3A_550 = tpu.memref_squeeze %dma_start3A_549 : memref<1x128xi32, #tpu.memory_space<vmem>> -> memref<128xi32, #tpu.memory_space<vmem>>
      %dma_start3A_551 = tpu.memref_slice %arg6[%add3A_285] : memref<16384xi32, #tpu.memory_space<hbm>> -> memref<128xi32, #tpu.memory_space<hbm>>
      tpu.enqueue_dma source(%dma_start3A_551 : memref<128xi32, #tpu.memory_space<hbm>>) target(%dma_start3A_550 : memref<128xi32, #tpu.memory_space<vmem>>) target_semaphore(%run_scoped3A_543 : memref<!tpu.dma_semaphore, #tpu.memory_space<semaphore_mem>>)
      %dma_wait3A_552 = arith.constant 0 : i32
      %dma_wait3A_553 = tpu.memref_slice %arg12[%run_scoped3A_287, %dma_wait3A_552] : memref<4x128xi32, #tpu.memory_space<vmem>> -> memref<1x128xi32, #tpu.memory_space<vmem>>
      %dma_wait3A_554 = tpu.memref_squeeze %dma_wait3A_553 : memref<1x128xi32, #tpu.memory_space<vmem>> -> memref<128xi32, #tpu.memory_space<vmem>>
      %dma_wait3A_555 = tpu.memref_slice %arg6[%add3A_285] : memref<16384xi32, #tpu.memory_space<hbm>> -> memref<128xi32, #tpu.memory_space<hbm>>
      %dma_wait3A_556 = arith.constant 0 : i32
      %dma_wait3A_557 = tpu.memref_slice %arg12[%run_scoped3A_287, %dma_wait3A_556] : memref<4x128xi32, #tpu.memory_space<vmem>> -> memref<1x128xi32, #tpu.memory_space<vmem>>
      %dma_wait3A_558 = tpu.memref_squeeze %dma_wait3A_557 : memref<1x128xi32, #tpu.memory_space<vmem>> -> memref<128xi32, #tpu.memory_space<vmem>>
      %dma_wait3A_559 = tpu.memref_slice %arg6[%add3A_285] : memref<16384xi32, #tpu.memory_space<hbm>> -> memref<128xi32, #tpu.memory_space<hbm>>
      tpu.wait_dma2 semaphore(%run_scoped3A_543 : memref<!tpu.dma_semaphore, #tpu.memory_space<semaphore_mem>>) src(%dma_wait3A_559 : memref<128xi32, #tpu.memory_space<hbm>>) dst(%dma_wait3A_558 : memref<128xi32, #tpu.memory_space<vmem>>)
      tpu.yield
    }) : () -> ()
    %run_scoped3A_288 = arith.constant 3 : i32
    "tpu.region"() ({
      %run_scoped3A_543 = tpu.sem_alloc : memref<!tpu.dma_semaphore, #tpu.memory_space<semaphore_mem>>
      %dma_start3A_544 = arith.constant 0 : i32
      %dma_start3A_545 = tpu.memref_slice %arg13[%run_scoped3A_288, %dma_start3A_544] : memref<4x128xi32, #tpu.memory_space<vmem>> -> memref<1x128xi32, #tpu.memory_space<vmem>>
      %dma_start3A_546 = tpu.memref_squeeze %dma_start3A_545 : memref<1x128xi32, #tpu.memory_space<vmem>> -> memref<128xi32, #tpu.memory_space<vmem>>
      %dma_start3A_547 = tpu.memref_slice %arg7[%add3A_285] : memref<16384xi32, #tpu.memory_space<hbm>> -> memref<128xi32, #tpu.memory_space<hbm>>
      %dma_start3A_548 = arith.constant 0 : i32
      %dma_start3A_549 = tpu.memref_slice %arg13[%run_scoped3A_288, %dma_start3A_548] : memref<4x128xi32, #tpu.memory_space<vmem>> -> memref<1x128xi32, #tpu.memory_space<vmem>>
      %dma_start3A_550 = tpu.memref_squeeze %dma_start3A_549 : memref<1x128xi32, #tpu.memory_space<vmem>> -> memref<128xi32, #tpu.memory_space<vmem>>
      %dma_start3A_551 = tpu.memref_slice %arg7[%add3A_285] : memref<16384xi32, #tpu.memory_space<hbm>> -> memref<128xi32, #tpu.memory_space<hbm>>
      tpu.enqueue_dma source(%dma_start3A_551 : memref<128xi32, #tpu.memory_space<hbm>>) target(%dma_start3A_550 : memref<128xi32, #tpu.memory_space<vmem>>) target_semaphore(%run_scoped3A_543 : memref<!tpu.dma_semaphore, #tpu.memory_space<semaphore_mem>>)
      %dma_wait3A_552 = arith.constant 0 : i32
      %dma_wait3A_553 = tpu.memref_slice %arg13[%run_scoped3A_288, %dma_wait3A_552] : memref<4x128xi32, #tpu.memory_space<vmem>> -> memref<1x128xi32, #tpu.memory_space<vmem>>
      %dma_wait3A_554 = tpu.memref_squeeze %dma_wait3A_553 : memref<1x128xi32, #tpu.memory_space<vmem>> -> memref<128xi32, #tpu.memory_space<vmem>>
      %dma_wait3A_555 = tpu.memref_slice %arg7[%add3A_285] : memref<16384xi32, #tpu.memory_space<hbm>> -> memref<128xi32, #tpu.memory_space<hbm>>
      %dma_wait3A_556 = arith.constant 0 : i32
      %dma_wait3A_557 = tpu.memref_slice %arg13[%run_scoped3A_288, %dma_wait3A_556] : memref<4x128xi32, #tpu.memory_space<vmem>> -> memref<1x128xi32, #tpu.memory_space<vmem>>
      %dma_wait3A_558 = tpu.memref_squeeze %dma_wait3A_557 : memref<1x128xi32, #tpu.memory_space<vmem>> -> memref<128xi32, #tpu.memory_space<vmem>>
      %dma_wait3A_559 = tpu.memref_slice %arg7[%add3A_285] : memref<16384xi32, #tpu.memory_space<hbm>> -> memref<128xi32, #tpu.memory_space<hbm>>
      tpu.wait_dma2 semaphore(%run_scoped3A_543 : memref<!tpu.dma_semaphore, #tpu.memory_space<semaphore_mem>>) src(%dma_wait3A_559 : memref<128xi32, #tpu.memory_space<hbm>>) dst(%dma_wait3A_558 : memref<128xi32, #tpu.memory_space<vmem>>)
      tpu.yield
    }) : () -> ()
    %dma_start3A_289 = arith.constant 0 : i32
    %dma_start3A_290 = arith.constant 0 : i32
    %dma_start3A_291 = arith.constant 0 : i32
    %dma_start3A_292 = tpu.memref_slice %arg14[%dma_start3A_290, %dma_start3A_291] : memref<512x64xf32, #tpu.memory_space<vmem>> -> memref<128x64xf32, #tpu.memory_space<vmem>>
    %dma_start3A_293 = arith.constant 0 : i32
    %dma_start3A_294 = tpu.memref_slice %arg11[%dma_start3A_289, %dma_start3A_293] : memref<4x128xi32, #tpu.memory_space<vmem>> -> memref<1x128xi32, #tpu.memory_space<vmem>>
    %dma_start3A_295 = tpu.memref_squeeze %dma_start3A_294 : memref<1x128xi32, #tpu.memory_space<vmem>> -> memref<128xi32, #tpu.memory_space<vmem>>
    %dma_start3A_296 = arith.constant 0 : i32
    %dma_start3A_297 = arith.constant 0 : i32
    %dma_start3A_298 = tpu.memref_slice %arg8[%dma_start3A_296, %dma_start3A_297] : memref<1000000x64xf32, #tpu.memory_space<hbm>> -> memref<1000000x64xf32, #tpu.memory_space<hbm>>
    tpu.enqueue_indirect_dma source(%dma_start3A_298 : memref<1000000x64xf32, #tpu.memory_space<hbm>>) target(%dma_start3A_292 : memref<128x64xf32, #tpu.memory_space<vmem>>) offsets(%dma_start3A_295 : memref<128xi32, #tpu.memory_space<vmem>>) semaphore(%arg18 : memref<!tpu.dma_semaphore, #tpu.memory_space<semaphore_mem>>)
    %dma_start3A_299 = arith.constant 0 : i32
    %dma_start3A_300 = arith.constant 0 : i32
    %dma_start3A_301 = arith.constant 0 : i32
    %dma_start3A_302 = tpu.memref_slice %arg15[%dma_start3A_300, %dma_start3A_301] : memref<512x64xf32, #tpu.memory_space<vmem>> -> memref<128x64xf32, #tpu.memory_space<vmem>>
    %dma_start3A_303 = arith.constant 0 : i32
    %dma_start3A_304 = tpu.memref_slice %arg12[%dma_start3A_299, %dma_start3A_303] : memref<4x128xi32, #tpu.memory_space<vmem>> -> memref<1x128xi32, #tpu.memory_space<vmem>>
    %dma_start3A_305 = tpu.memref_squeeze %dma_start3A_304 : memref<1x128xi32, #tpu.memory_space<vmem>> -> memref<128xi32, #tpu.memory_space<vmem>>
    %dma_start3A_306 = arith.constant 0 : i32
    %dma_start3A_307 = arith.constant 0 : i32
    %dma_start3A_308 = tpu.memref_slice %arg9[%dma_start3A_306, %dma_start3A_307] : memref<1000000x64xf32, #tpu.memory_space<hbm>> -> memref<1000000x64xf32, #tpu.memory_space<hbm>>
    tpu.enqueue_indirect_dma source(%dma_start3A_308 : memref<1000000x64xf32, #tpu.memory_space<hbm>>) target(%dma_start3A_302 : memref<128x64xf32, #tpu.memory_space<vmem>>) offsets(%dma_start3A_305 : memref<128xi32, #tpu.memory_space<vmem>>) semaphore(%arg18 : memref<!tpu.dma_semaphore, #tpu.memory_space<semaphore_mem>>)
    %dma_start3A_309 = arith.constant 0 : i32
    %dma_start3A_310 = arith.constant 0 : i32
    %dma_start3A_311 = arith.constant 0 : i32
    %dma_start3A_312 = tpu.memref_slice %arg16[%dma_start3A_310, %dma_start3A_311] : memref<512x64xf32, #tpu.memory_space<vmem>> -> memref<128x64xf32, #tpu.memory_space<vmem>>
    %dma_start3A_313 = arith.constant 0 : i32
    %dma_start3A_314 = tpu.memref_slice %arg13[%dma_start3A_309, %dma_start3A_313] : memref<4x128xi32, #tpu.memory_space<vmem>> -> memref<1x128xi32, #tpu.memory_space<vmem>>
    %dma_start3A_315 = tpu.memref_squeeze %dma_start3A_314 : memref<1x128xi32, #tpu.memory_space<vmem>> -> memref<128xi32, #tpu.memory_space<vmem>>
    %dma_start3A_316 = arith.constant 0 : i32
    %dma_start3A_317 = arith.constant 0 : i32
    %dma_start3A_318 = tpu.memref_slice %arg8[%dma_start3A_316, %dma_start3A_317] : memref<1000000x64xf32, #tpu.memory_space<hbm>> -> memref<1000000x64xf32, #tpu.memory_space<hbm>>
    tpu.enqueue_indirect_dma source(%dma_start3A_318 : memref<1000000x64xf32, #tpu.memory_space<hbm>>) target(%dma_start3A_312 : memref<128x64xf32, #tpu.memory_space<vmem>>) offsets(%dma_start3A_315 : memref<128xi32, #tpu.memory_space<vmem>>) semaphore(%arg18 : memref<!tpu.dma_semaphore, #tpu.memory_space<semaphore_mem>>)
    %dma_start3A_319 = arith.constant 1 : i32
    %dma_start3A_320 = arith.constant 128 : i32
    %dma_start3A_321 = arith.constant 0 : i32
    %dma_start3A_322 = tpu.memref_slice %arg14[%dma_start3A_320, %dma_start3A_321] : memref<512x64xf32, #tpu.memory_space<vmem>> -> memref<128x64xf32, #tpu.memory_space<vmem>>
    %dma_start3A_323 = arith.constant 0 : i32
    %dma_start3A_324 = tpu.memref_slice %arg11[%dma_start3A_319, %dma_start3A_323] : memref<4x128xi32, #tpu.memory_space<vmem>> -> memref<1x128xi32, #tpu.memory_space<vmem>>
    %dma_start3A_325 = tpu.memref_squeeze %dma_start3A_324 : memref<1x128xi32, #tpu.memory_space<vmem>> -> memref<128xi32, #tpu.memory_space<vmem>>
    %dma_start3A_326 = arith.constant 0 : i32
    %dma_start3A_327 = arith.constant 0 : i32
    %dma_start3A_328 = tpu.memref_slice %arg8[%dma_start3A_326, %dma_start3A_327] : memref<1000000x64xf32, #tpu.memory_space<hbm>> -> memref<1000000x64xf32, #tpu.memory_space<hbm>>
    tpu.enqueue_indirect_dma source(%dma_start3A_328 : memref<1000000x64xf32, #tpu.memory_space<hbm>>) target(%dma_start3A_322 : memref<128x64xf32, #tpu.memory_space<vmem>>) offsets(%dma_start3A_325 : memref<128xi32, #tpu.memory_space<vmem>>) semaphore(%arg18 : memref<!tpu.dma_semaphore, #tpu.memory_space<semaphore_mem>>)
    %dma_start3A_329 = arith.constant 1 : i32
    %dma_start3A_330 = arith.constant 128 : i32
    %dma_start3A_331 = arith.constant 0 : i32
    %dma_start3A_332 = tpu.memref_slice %arg15[%dma_start3A_330, %dma_start3A_331] : memref<512x64xf32, #tpu.memory_space<vmem>> -> memref<128x64xf32, #tpu.memory_space<vmem>>
    %dma_start3A_333 = arith.constant 0 : i32
    %dma_start3A_334 = tpu.memref_slice %arg12[%dma_start3A_329, %dma_start3A_333] : memref<4x128xi32, #tpu.memory_space<vmem>> -> memref<1x128xi32, #tpu.memory_space<vmem>>
    %dma_start3A_335 = tpu.memref_squeeze %dma_start3A_334 : memref<1x128xi32, #tpu.memory_space<vmem>> -> memref<128xi32, #tpu.memory_space<vmem>>
    %dma_start3A_336 = arith.constant 0 : i32
    %dma_start3A_337 = arith.constant 0 : i32
    %dma_start3A_338 = tpu.memref_slice %arg9[%dma_start3A_336, %dma_start3A_337] : memref<1000000x64xf32, #tpu.memory_space<hbm>> -> memref<1000000x64xf32, #tpu.memory_space<hbm>>
    tpu.enqueue_indirect_dma source(%dma_start3A_338 : memref<1000000x64xf32, #tpu.memory_space<hbm>>) target(%dma_start3A_332 : memref<128x64xf32, #tpu.memory_space<vmem>>) offsets(%dma_start3A_335 : memref<128xi32, #tpu.memory_space<vmem>>) semaphore(%arg18 : memref<!tpu.dma_semaphore, #tpu.memory_space<semaphore_mem>>)
    %dma_start3A_339 = arith.constant 1 : i32
    %dma_start3A_340 = arith.constant 128 : i32
    %dma_start3A_341 = arith.constant 0 : i32
    %dma_start3A_342 = tpu.memref_slice %arg16[%dma_start3A_340, %dma_start3A_341] : memref<512x64xf32, #tpu.memory_space<vmem>> -> memref<128x64xf32, #tpu.memory_space<vmem>>
    %dma_start3A_343 = arith.constant 0 : i32
    %dma_start3A_344 = tpu.memref_slice %arg13[%dma_start3A_339, %dma_start3A_343] : memref<4x128xi32, #tpu.memory_space<vmem>> -> memref<1x128xi32, #tpu.memory_space<vmem>>
    %dma_start3A_345 = tpu.memref_squeeze %dma_start3A_344 : memref<1x128xi32, #tpu.memory_space<vmem>> -> memref<128xi32, #tpu.memory_space<vmem>>
    %dma_start3A_346 = arith.constant 0 : i32
    %dma_start3A_347 = arith.constant 0 : i32
    %dma_start3A_348 = tpu.memref_slice %arg8[%dma_start3A_346, %dma_start3A_347] : memref<1000000x64xf32, #tpu.memory_space<hbm>> -> memref<1000000x64xf32, #tpu.memory_space<hbm>>
    tpu.enqueue_indirect_dma source(%dma_start3A_348 : memref<1000000x64xf32, #tpu.memory_space<hbm>>) target(%dma_start3A_342 : memref<128x64xf32, #tpu.memory_space<vmem>>) offsets(%dma_start3A_345 : memref<128xi32, #tpu.memory_space<vmem>>) semaphore(%arg18 : memref<!tpu.dma_semaphore, #tpu.memory_space<semaphore_mem>>)
    %dma_start3A_349 = arith.constant 2 : i32
    %dma_start3A_350 = arith.constant 256 : i32
    %dma_start3A_351 = arith.constant 0 : i32
    %dma_start3A_352 = tpu.memref_slice %arg14[%dma_start3A_350, %dma_start3A_351] : memref<512x64xf32, #tpu.memory_space<vmem>> -> memref<128x64xf32, #tpu.memory_space<vmem>>
    %dma_start3A_353 = arith.constant 0 : i32
    %dma_start3A_354 = tpu.memref_slice %arg11[%dma_start3A_349, %dma_start3A_353] : memref<4x128xi32, #tpu.memory_space<vmem>> -> memref<1x128xi32, #tpu.memory_space<vmem>>
    %dma_start3A_355 = tpu.memref_squeeze %dma_start3A_354 : memref<1x128xi32, #tpu.memory_space<vmem>> -> memref<128xi32, #tpu.memory_space<vmem>>
    %dma_start3A_356 = arith.constant 0 : i32
    %dma_start3A_357 = arith.constant 0 : i32
    %dma_start3A_358 = tpu.memref_slice %arg8[%dma_start3A_356, %dma_start3A_357] : memref<1000000x64xf32, #tpu.memory_space<hbm>> -> memref<1000000x64xf32, #tpu.memory_space<hbm>>
    tpu.enqueue_indirect_dma source(%dma_start3A_358 : memref<1000000x64xf32, #tpu.memory_space<hbm>>) target(%dma_start3A_352 : memref<128x64xf32, #tpu.memory_space<vmem>>) offsets(%dma_start3A_355 : memref<128xi32, #tpu.memory_space<vmem>>) semaphore(%arg18 : memref<!tpu.dma_semaphore, #tpu.memory_space<semaphore_mem>>)
    %dma_start3A_359 = arith.constant 2 : i32
    %dma_start3A_360 = arith.constant 256 : i32
    %dma_start3A_361 = arith.constant 0 : i32
    %dma_start3A_362 = tpu.memref_slice %arg15[%dma_start3A_360, %dma_start3A_361] : memref<512x64xf32, #tpu.memory_space<vmem>> -> memref<128x64xf32, #tpu.memory_space<vmem>>
    %dma_start3A_363 = arith.constant 0 : i32
    %dma_start3A_364 = tpu.memref_slice %arg12[%dma_start3A_359, %dma_start3A_363] : memref<4x128xi32, #tpu.memory_space<vmem>> -> memref<1x128xi32, #tpu.memory_space<vmem>>
    %dma_start3A_365 = tpu.memref_squeeze %dma_start3A_364 : memref<1x128xi32, #tpu.memory_space<vmem>> -> memref<128xi32, #tpu.memory_space<vmem>>
    %dma_start3A_366 = arith.constant 0 : i32
    %dma_start3A_367 = arith.constant 0 : i32
    %dma_start3A_368 = tpu.memref_slice %arg9[%dma_start3A_366, %dma_start3A_367] : memref<1000000x64xf32, #tpu.memory_space<hbm>> -> memref<1000000x64xf32, #tpu.memory_space<hbm>>
    tpu.enqueue_indirect_dma source(%dma_start3A_368 : memref<1000000x64xf32, #tpu.memory_space<hbm>>) target(%dma_start3A_362 : memref<128x64xf32, #tpu.memory_space<vmem>>) offsets(%dma_start3A_365 : memref<128xi32, #tpu.memory_space<vmem>>) semaphore(%arg18 : memref<!tpu.dma_semaphore, #tpu.memory_space<semaphore_mem>>)
    %dma_start3A_369 = arith.constant 2 : i32
    %dma_start3A_370 = arith.constant 256 : i32
    %dma_start3A_371 = arith.constant 0 : i32
    %dma_start3A_372 = tpu.memref_slice %arg16[%dma_start3A_370, %dma_start3A_371] : memref<512x64xf32, #tpu.memory_space<vmem>> -> memref<128x64xf32, #tpu.memory_space<vmem>>
    %dma_start3A_373 = arith.constant 0 : i32
    %dma_start3A_374 = tpu.memref_slice %arg13[%dma_start3A_369, %dma_start3A_373] : memref<4x128xi32, #tpu.memory_space<vmem>> -> memref<1x128xi32, #tpu.memory_space<vmem>>
    %dma_start3A_375 = tpu.memref_squeeze %dma_start3A_374 : memref<1x128xi32, #tpu.memory_space<vmem>> -> memref<128xi32, #tpu.memory_space<vmem>>
    %dma_start3A_376 = arith.constant 0 : i32
    %dma_start3A_377 = arith.constant 0 : i32
    %dma_start3A_378 = tpu.memref_slice %arg8[%dma_start3A_376, %dma_start3A_377] : memref<1000000x64xf32, #tpu.memory_space<hbm>> -> memref<1000000x64xf32, #tpu.memory_space<hbm>>
    tpu.enqueue_indirect_dma source(%dma_start3A_378 : memref<1000000x64xf32, #tpu.memory_space<hbm>>) target(%dma_start3A_372 : memref<128x64xf32, #tpu.memory_space<vmem>>) offsets(%dma_start3A_375 : memref<128xi32, #tpu.memory_space<vmem>>) semaphore(%arg18 : memref<!tpu.dma_semaphore, #tpu.memory_space<semaphore_mem>>)
    %dma_start3A_379 = arith.constant 3 : i32
    %dma_start3A_380 = arith.constant 384 : i32
    %dma_start3A_381 = arith.constant 0 : i32
    %dma_start3A_382 = tpu.memref_slice %arg14[%dma_start3A_380, %dma_start3A_381] : memref<512x64xf32, #tpu.memory_space<vmem>> -> memref<128x64xf32, #tpu.memory_space<vmem>>
    %dma_start3A_383 = arith.constant 0 : i32
    %dma_start3A_384 = tpu.memref_slice %arg11[%dma_start3A_379, %dma_start3A_383] : memref<4x128xi32, #tpu.memory_space<vmem>> -> memref<1x128xi32, #tpu.memory_space<vmem>>
    %dma_start3A_385 = tpu.memref_squeeze %dma_start3A_384 : memref<1x128xi32, #tpu.memory_space<vmem>> -> memref<128xi32, #tpu.memory_space<vmem>>
    %dma_start3A_386 = arith.constant 0 : i32
    %dma_start3A_387 = arith.constant 0 : i32
    %dma_start3A_388 = tpu.memref_slice %arg8[%dma_start3A_386, %dma_start3A_387] : memref<1000000x64xf32, #tpu.memory_space<hbm>> -> memref<1000000x64xf32, #tpu.memory_space<hbm>>
    tpu.enqueue_indirect_dma source(%dma_start3A_388 : memref<1000000x64xf32, #tpu.memory_space<hbm>>) target(%dma_start3A_382 : memref<128x64xf32, #tpu.memory_space<vmem>>) offsets(%dma_start3A_385 : memref<128xi32, #tpu.memory_space<vmem>>) semaphore(%arg18 : memref<!tpu.dma_semaphore, #tpu.memory_space<semaphore_mem>>)
    %dma_start3A_389 = arith.constant 3 : i32
    %dma_start3A_390 = arith.constant 384 : i32
    %dma_start3A_391 = arith.constant 0 : i32
    %dma_start3A_392 = tpu.memref_slice %arg15[%dma_start3A_390, %dma_start3A_391] : memref<512x64xf32, #tpu.memory_space<vmem>> -> memref<128x64xf32, #tpu.memory_space<vmem>>
    %dma_start3A_393 = arith.constant 0 : i32
    %dma_start3A_394 = tpu.memref_slice %arg12[%dma_start3A_389, %dma_start3A_393] : memref<4x128xi32, #tpu.memory_space<vmem>> -> memref<1x128xi32, #tpu.memory_space<vmem>>
    %dma_start3A_395 = tpu.memref_squeeze %dma_start3A_394 : memref<1x128xi32, #tpu.memory_space<vmem>> -> memref<128xi32, #tpu.memory_space<vmem>>
    %dma_start3A_396 = arith.constant 0 : i32
    %dma_start3A_397 = arith.constant 0 : i32
    %dma_start3A_398 = tpu.memref_slice %arg9[%dma_start3A_396, %dma_start3A_397] : memref<1000000x64xf32, #tpu.memory_space<hbm>> -> memref<1000000x64xf32, #tpu.memory_space<hbm>>
    tpu.enqueue_indirect_dma source(%dma_start3A_398 : memref<1000000x64xf32, #tpu.memory_space<hbm>>) target(%dma_start3A_392 : memref<128x64xf32, #tpu.memory_space<vmem>>) offsets(%dma_start3A_395 : memref<128xi32, #tpu.memory_space<vmem>>) semaphore(%arg18 : memref<!tpu.dma_semaphore, #tpu.memory_space<semaphore_mem>>)
    %dma_start3A_399 = arith.constant 3 : i32
    %dma_start3A_400 = arith.constant 384 : i32
    %dma_start3A_401 = arith.constant 0 : i32
    %dma_start3A_402 = tpu.memref_slice %arg16[%dma_start3A_400, %dma_start3A_401] : memref<512x64xf32, #tpu.memory_space<vmem>> -> memref<128x64xf32, #tpu.memory_space<vmem>>
    %dma_start3A_403 = arith.constant 0 : i32
    %dma_start3A_404 = tpu.memref_slice %arg13[%dma_start3A_399, %dma_start3A_403] : memref<4x128xi32, #tpu.memory_space<vmem>> -> memref<1x128xi32, #tpu.memory_space<vmem>>
    %dma_start3A_405 = tpu.memref_squeeze %dma_start3A_404 : memref<1x128xi32, #tpu.memory_space<vmem>> -> memref<128xi32, #tpu.memory_space<vmem>>
    %dma_start3A_406 = arith.constant 0 : i32
    %dma_start3A_407 = arith.constant 0 : i32
    %dma_start3A_408 = tpu.memref_slice %arg8[%dma_start3A_406, %dma_start3A_407] : memref<1000000x64xf32, #tpu.memory_space<hbm>> -> memref<1000000x64xf32, #tpu.memory_space<hbm>>
    tpu.enqueue_indirect_dma source(%dma_start3A_408 : memref<1000000x64xf32, #tpu.memory_space<hbm>>) target(%dma_start3A_402 : memref<128x64xf32, #tpu.memory_space<vmem>>) offsets(%dma_start3A_405 : memref<128xi32, #tpu.memory_space<vmem>>) semaphore(%arg18 : memref<!tpu.dma_semaphore, #tpu.memory_space<semaphore_mem>>)
    %dma_wait3A_409 = arith.constant 0 : i32
    %dma_wait3A_410 = arith.constant 0 : i32
    %dma_wait3A_411 = arith.constant 0 : i32
    %dma_wait3A_412 = tpu.memref_slice %arg14[%dma_wait3A_410, %dma_wait3A_411] : memref<512x64xf32, #tpu.memory_space<vmem>> -> memref<128x64xf32, #tpu.memory_space<vmem>>
    %dma_wait3A_413 = arith.constant 0 : i32
    %dma_wait3A_414 = tpu.memref_slice %arg11[%dma_wait3A_409, %dma_wait3A_413] : memref<4x128xi32, #tpu.memory_space<vmem>> -> memref<1x128xi32, #tpu.memory_space<vmem>>
    %dma_wait3A_415 = tpu.memref_squeeze %dma_wait3A_414 : memref<1x128xi32, #tpu.memory_space<vmem>> -> memref<128xi32, #tpu.memory_space<vmem>>
    %dma_wait3A_416 = arith.constant 0 : i32
    %dma_wait3A_417 = arith.constant 0 : i32
    %dma_wait3A_418 = tpu.memref_slice %arg8[%dma_wait3A_416, %dma_wait3A_417] : memref<1000000x64xf32, #tpu.memory_space<hbm>> -> memref<1000000x64xf32, #tpu.memory_space<hbm>>
    tpu.wait_indirect_dma semaphore(%arg18 : memref<!tpu.dma_semaphore, #tpu.memory_space<semaphore_mem>>) src(%dma_wait3A_418 : memref<1000000x64xf32, #tpu.memory_space<hbm>>) dst(%dma_wait3A_412 : memref<128x64xf32, #tpu.memory_space<vmem>>)
    %dma_wait3A_419 = arith.constant 0 : i32
    %dma_wait3A_420 = arith.constant 0 : i32
    %dma_wait3A_421 = arith.constant 0 : i32
    %dma_wait3A_422 = tpu.memref_slice %arg15[%dma_wait3A_420, %dma_wait3A_421] : memref<512x64xf32, #tpu.memory_space<vmem>> -> memref<128x64xf32, #tpu.memory_space<vmem>>
    %dma_wait3A_423 = arith.constant 0 : i32
    %dma_wait3A_424 = tpu.memref_slice %arg12[%dma_wait3A_419, %dma_wait3A_423] : memref<4x128xi32, #tpu.memory_space<vmem>> -> memref<1x128xi32, #tpu.memory_space<vmem>>
    %dma_wait3A_425 = tpu.memref_squeeze %dma_wait3A_424 : memref<1x128xi32, #tpu.memory_space<vmem>> -> memref<128xi32, #tpu.memory_space<vmem>>
    %dma_wait3A_426 = arith.constant 0 : i32
    %dma_wait3A_427 = arith.constant 0 : i32
    %dma_wait3A_428 = tpu.memref_slice %arg9[%dma_wait3A_426, %dma_wait3A_427] : memref<1000000x64xf32, #tpu.memory_space<hbm>> -> memref<1000000x64xf32, #tpu.memory_space<hbm>>
    tpu.wait_indirect_dma semaphore(%arg18 : memref<!tpu.dma_semaphore, #tpu.memory_space<semaphore_mem>>) src(%dma_wait3A_428 : memref<1000000x64xf32, #tpu.memory_space<hbm>>) dst(%dma_wait3A_422 : memref<128x64xf32, #tpu.memory_space<vmem>>)
    %dma_wait3A_429 = arith.constant 0 : i32
    %dma_wait3A_430 = arith.constant 0 : i32
    %dma_wait3A_431 = arith.constant 0 : i32
    %dma_wait3A_432 = tpu.memref_slice %arg16[%dma_wait3A_430, %dma_wait3A_431] : memref<512x64xf32, #tpu.memory_space<vmem>> -> memref<128x64xf32, #tpu.memory_space<vmem>>
    %dma_wait3A_433 = arith.constant 0 : i32
    %dma_wait3A_434 = tpu.memref_slice %arg13[%dma_wait3A_429, %dma_wait3A_433] : memref<4x128xi32, #tpu.memory_space<vmem>> -> memref<1x128xi32, #tpu.memory_space<vmem>>
    %dma_wait3A_435 = tpu.memref_squeeze %dma_wait3A_434 : memref<1x128xi32, #tpu.memory_space<vmem>> -> memref<128xi32, #tpu.memory_space<vmem>>
    %dma_wait3A_436 = arith.constant 0 : i32
    %dma_wait3A_437 = arith.constant 0 : i32
    %dma_wait3A_438 = tpu.memref_slice %arg8[%dma_wait3A_436, %dma_wait3A_437] : memref<1000000x64xf32, #tpu.memory_space<hbm>> -> memref<1000000x64xf32, #tpu.memory_space<hbm>>
    tpu.wait_indirect_dma semaphore(%arg18 : memref<!tpu.dma_semaphore, #tpu.memory_space<semaphore_mem>>) src(%dma_wait3A_438 : memref<1000000x64xf32, #tpu.memory_space<hbm>>) dst(%dma_wait3A_432 : memref<128x64xf32, #tpu.memory_space<vmem>>)
    %dma_wait3A_439 = arith.constant 1 : i32
    %dma_wait3A_440 = arith.constant 128 : i32
    %dma_wait3A_441 = arith.constant 0 : i32
    %dma_wait3A_442 = tpu.memref_slice %arg14[%dma_wait3A_440, %dma_wait3A_441] : memref<512x64xf32, #tpu.memory_space<vmem>> -> memref<128x64xf32, #tpu.memory_space<vmem>>
    %dma_wait3A_443 = arith.constant 0 : i32
    %dma_wait3A_444 = tpu.memref_slice %arg11[%dma_wait3A_439, %dma_wait3A_443] : memref<4x128xi32, #tpu.memory_space<vmem>> -> memref<1x128xi32, #tpu.memory_space<vmem>>
    %dma_wait3A_445 = tpu.memref_squeeze %dma_wait3A_444 : memref<1x128xi32, #tpu.memory_space<vmem>> -> memref<128xi32, #tpu.memory_space<vmem>>
    %dma_wait3A_446 = arith.constant 0 : i32
    %dma_wait3A_447 = arith.constant 0 : i32
    %dma_wait3A_448 = tpu.memref_slice %arg8[%dma_wait3A_446, %dma_wait3A_447] : memref<1000000x64xf32, #tpu.memory_space<hbm>> -> memref<1000000x64xf32, #tpu.memory_space<hbm>>
    tpu.wait_indirect_dma semaphore(%arg18 : memref<!tpu.dma_semaphore, #tpu.memory_space<semaphore_mem>>) src(%dma_wait3A_448 : memref<1000000x64xf32, #tpu.memory_space<hbm>>) dst(%dma_wait3A_442 : memref<128x64xf32, #tpu.memory_space<vmem>>)
    %dma_wait3A_449 = arith.constant 1 : i32
    %dma_wait3A_450 = arith.constant 128 : i32
    %dma_wait3A_451 = arith.constant 0 : i32
    %dma_wait3A_452 = tpu.memref_slice %arg15[%dma_wait3A_450, %dma_wait3A_451] : memref<512x64xf32, #tpu.memory_space<vmem>> -> memref<128x64xf32, #tpu.memory_space<vmem>>
    %dma_wait3A_453 = arith.constant 0 : i32
    %dma_wait3A_454 = tpu.memref_slice %arg12[%dma_wait3A_449, %dma_wait3A_453] : memref<4x128xi32, #tpu.memory_space<vmem>> -> memref<1x128xi32, #tpu.memory_space<vmem>>
    %dma_wait3A_455 = tpu.memref_squeeze %dma_wait3A_454 : memref<1x128xi32, #tpu.memory_space<vmem>> -> memref<128xi32, #tpu.memory_space<vmem>>
    %dma_wait3A_456 = arith.constant 0 : i32
    %dma_wait3A_457 = arith.constant 0 : i32
    %dma_wait3A_458 = tpu.memref_slice %arg9[%dma_wait3A_456, %dma_wait3A_457] : memref<1000000x64xf32, #tpu.memory_space<hbm>> -> memref<1000000x64xf32, #tpu.memory_space<hbm>>
    tpu.wait_indirect_dma semaphore(%arg18 : memref<!tpu.dma_semaphore, #tpu.memory_space<semaphore_mem>>) src(%dma_wait3A_458 : memref<1000000x64xf32, #tpu.memory_space<hbm>>) dst(%dma_wait3A_452 : memref<128x64xf32, #tpu.memory_space<vmem>>)
    %dma_wait3A_459 = arith.constant 1 : i32
    %dma_wait3A_460 = arith.constant 128 : i32
    %dma_wait3A_461 = arith.constant 0 : i32
    %dma_wait3A_462 = tpu.memref_slice %arg16[%dma_wait3A_460, %dma_wait3A_461] : memref<512x64xf32, #tpu.memory_space<vmem>> -> memref<128x64xf32, #tpu.memory_space<vmem>>
    %dma_wait3A_463 = arith.constant 0 : i32
    %dma_wait3A_464 = tpu.memref_slice %arg13[%dma_wait3A_459, %dma_wait3A_463] : memref<4x128xi32, #tpu.memory_space<vmem>> -> memref<1x128xi32, #tpu.memory_space<vmem>>
    %dma_wait3A_465 = tpu.memref_squeeze %dma_wait3A_464 : memref<1x128xi32, #tpu.memory_space<vmem>> -> memref<128xi32, #tpu.memory_space<vmem>>
    %dma_wait3A_466 = arith.constant 0 : i32
    %dma_wait3A_467 = arith.constant 0 : i32
    %dma_wait3A_468 = tpu.memref_slice %arg8[%dma_wait3A_466, %dma_wait3A_467] : memref<1000000x64xf32, #tpu.memory_space<hbm>> -> memref<1000000x64xf32, #tpu.memory_space<hbm>>
    tpu.wait_indirect_dma semaphore(%arg18 : memref<!tpu.dma_semaphore, #tpu.memory_space<semaphore_mem>>) src(%dma_wait3A_468 : memref<1000000x64xf32, #tpu.memory_space<hbm>>) dst(%dma_wait3A_462 : memref<128x64xf32, #tpu.memory_space<vmem>>)
    %dma_wait3A_469 = arith.constant 2 : i32
    %dma_wait3A_470 = arith.constant 256 : i32
    %dma_wait3A_471 = arith.constant 0 : i32
    %dma_wait3A_472 = tpu.memref_slice %arg14[%dma_wait3A_470, %dma_wait3A_471] : memref<512x64xf32, #tpu.memory_space<vmem>> -> memref<128x64xf32, #tpu.memory_space<vmem>>
    %dma_wait3A_473 = arith.constant 0 : i32
    %dma_wait3A_474 = tpu.memref_slice %arg11[%dma_wait3A_469, %dma_wait3A_473] : memref<4x128xi32, #tpu.memory_space<vmem>> -> memref<1x128xi32, #tpu.memory_space<vmem>>
    %dma_wait3A_475 = tpu.memref_squeeze %dma_wait3A_474 : memref<1x128xi32, #tpu.memory_space<vmem>> -> memref<128xi32, #tpu.memory_space<vmem>>
    %dma_wait3A_476 = arith.constant 0 : i32
    %dma_wait3A_477 = arith.constant 0 : i32
    %dma_wait3A_478 = tpu.memref_slice %arg8[%dma_wait3A_476, %dma_wait3A_477] : memref<1000000x64xf32, #tpu.memory_space<hbm>> -> memref<1000000x64xf32, #tpu.memory_space<hbm>>
    tpu.wait_indirect_dma semaphore(%arg18 : memref<!tpu.dma_semaphore, #tpu.memory_space<semaphore_mem>>) src(%dma_wait3A_478 : memref<1000000x64xf32, #tpu.memory_space<hbm>>) dst(%dma_wait3A_472 : memref<128x64xf32, #tpu.memory_space<vmem>>)
    %dma_wait3A_479 = arith.constant 2 : i32
    %dma_wait3A_480 = arith.constant 256 : i32
    %dma_wait3A_481 = arith.constant 0 : i32
    %dma_wait3A_482 = tpu.memref_slice %arg15[%dma_wait3A_480, %dma_wait3A_481] : memref<512x64xf32, #tpu.memory_space<vmem>> -> memref<128x64xf32, #tpu.memory_space<vmem>>
    %dma_wait3A_483 = arith.constant 0 : i32
    %dma_wait3A_484 = tpu.memref_slice %arg12[%dma_wait3A_479, %dma_wait3A_483] : memref<4x128xi32, #tpu.memory_space<vmem>> -> memref<1x128xi32, #tpu.memory_space<vmem>>
    %dma_wait3A_485 = tpu.memref_squeeze %dma_wait3A_484 : memref<1x128xi32, #tpu.memory_space<vmem>> -> memref<128xi32, #tpu.memory_space<vmem>>
    %dma_wait3A_486 = arith.constant 0 : i32
    %dma_wait3A_487 = arith.constant 0 : i32
    %dma_wait3A_488 = tpu.memref_slice %arg9[%dma_wait3A_486, %dma_wait3A_487] : memref<1000000x64xf32, #tpu.memory_space<hbm>> -> memref<1000000x64xf32, #tpu.memory_space<hbm>>
    tpu.wait_indirect_dma semaphore(%arg18 : memref<!tpu.dma_semaphore, #tpu.memory_space<semaphore_mem>>) src(%dma_wait3A_488 : memref<1000000x64xf32, #tpu.memory_space<hbm>>) dst(%dma_wait3A_482 : memref<128x64xf32, #tpu.memory_space<vmem>>)
    %dma_wait3A_489 = arith.constant 2 : i32
    %dma_wait3A_490 = arith.constant 256 : i32
    %dma_wait3A_491 = arith.constant 0 : i32
    %dma_wait3A_492 = tpu.memref_slice %arg16[%dma_wait3A_490, %dma_wait3A_491] : memref<512x64xf32, #tpu.memory_space<vmem>> -> memref<128x64xf32, #tpu.memory_space<vmem>>
    %dma_wait3A_493 = arith.constant 0 : i32
    %dma_wait3A_494 = tpu.memref_slice %arg13[%dma_wait3A_489, %dma_wait3A_493] : memref<4x128xi32, #tpu.memory_space<vmem>> -> memref<1x128xi32, #tpu.memory_space<vmem>>
    %dma_wait3A_495 = tpu.memref_squeeze %dma_wait3A_494 : memref<1x128xi32, #tpu.memory_space<vmem>> -> memref<128xi32, #tpu.memory_space<vmem>>
    %dma_wait3A_496 = arith.constant 0 : i32
    %dma_wait3A_497 = arith.constant 0 : i32
    %dma_wait3A_498 = tpu.memref_slice %arg8[%dma_wait3A_496, %dma_wait3A_497] : memref<1000000x64xf32, #tpu.memory_space<hbm>> -> memref<1000000x64xf32, #tpu.memory_space<hbm>>
    tpu.wait_indirect_dma semaphore(%arg18 : memref<!tpu.dma_semaphore, #tpu.memory_space<semaphore_mem>>) src(%dma_wait3A_498 : memref<1000000x64xf32, #tpu.memory_space<hbm>>) dst(%dma_wait3A_492 : memref<128x64xf32, #tpu.memory_space<vmem>>)
    %dma_wait3A_499 = arith.constant 3 : i32
    %dma_wait3A_500 = arith.constant 384 : i32
    %dma_wait3A_501 = arith.constant 0 : i32
    %dma_wait3A_502 = tpu.memref_slice %arg14[%dma_wait3A_500, %dma_wait3A_501] : memref<512x64xf32, #tpu.memory_space<vmem>> -> memref<128x64xf32, #tpu.memory_space<vmem>>
    %dma_wait3A_503 = arith.constant 0 : i32
    %dma_wait3A_504 = tpu.memref_slice %arg11[%dma_wait3A_499, %dma_wait3A_503] : memref<4x128xi32, #tpu.memory_space<vmem>> -> memref<1x128xi32, #tpu.memory_space<vmem>>
    %dma_wait3A_505 = tpu.memref_squeeze %dma_wait3A_504 : memref<1x128xi32, #tpu.memory_space<vmem>> -> memref<128xi32, #tpu.memory_space<vmem>>
    %dma_wait3A_506 = arith.constant 0 : i32
    %dma_wait3A_507 = arith.constant 0 : i32
    %dma_wait3A_508 = tpu.memref_slice %arg8[%dma_wait3A_506, %dma_wait3A_507] : memref<1000000x64xf32, #tpu.memory_space<hbm>> -> memref<1000000x64xf32, #tpu.memory_space<hbm>>
    tpu.wait_indirect_dma semaphore(%arg18 : memref<!tpu.dma_semaphore, #tpu.memory_space<semaphore_mem>>) src(%dma_wait3A_508 : memref<1000000x64xf32, #tpu.memory_space<hbm>>) dst(%dma_wait3A_502 : memref<128x64xf32, #tpu.memory_space<vmem>>)
    %dma_wait3A_509 = arith.constant 3 : i32
    %dma_wait3A_510 = arith.constant 384 : i32
    %dma_wait3A_511 = arith.constant 0 : i32
    %dma_wait3A_512 = tpu.memref_slice %arg15[%dma_wait3A_510, %dma_wait3A_511] : memref<512x64xf32, #tpu.memory_space<vmem>> -> memref<128x64xf32, #tpu.memory_space<vmem>>
    %dma_wait3A_513 = arith.constant 0 : i32
    %dma_wait3A_514 = tpu.memref_slice %arg12[%dma_wait3A_509, %dma_wait3A_513] : memref<4x128xi32, #tpu.memory_space<vmem>> -> memref<1x128xi32, #tpu.memory_space<vmem>>
    %dma_wait3A_515 = tpu.memref_squeeze %dma_wait3A_514 : memref<1x128xi32, #tpu.memory_space<vmem>> -> memref<128xi32, #tpu.memory_space<vmem>>
    %dma_wait3A_516 = arith.constant 0 : i32
    %dma_wait3A_517 = arith.constant 0 : i32
    %dma_wait3A_518 = tpu.memref_slice %arg9[%dma_wait3A_516, %dma_wait3A_517] : memref<1000000x64xf32, #tpu.memory_space<hbm>> -> memref<1000000x64xf32, #tpu.memory_space<hbm>>
    tpu.wait_indirect_dma semaphore(%arg18 : memref<!tpu.dma_semaphore, #tpu.memory_space<semaphore_mem>>) src(%dma_wait3A_518 : memref<1000000x64xf32, #tpu.memory_space<hbm>>) dst(%dma_wait3A_512 : memref<128x64xf32, #tpu.memory_space<vmem>>)
    %dma_wait3A_519 = arith.constant 3 : i32
    %dma_wait3A_520 = arith.constant 384 : i32
    %dma_wait3A_521 = arith.constant 0 : i32
    %dma_wait3A_522 = tpu.memref_slice %arg16[%dma_wait3A_520, %dma_wait3A_521] : memref<512x64xf32, #tpu.memory_space<vmem>> -> memref<128x64xf32, #tpu.memory_space<vmem>>
    %dma_wait3A_523 = arith.constant 0 : i32
    %dma_wait3A_524 = tpu.memref_slice %arg13[%dma_wait3A_519, %dma_wait3A_523] : memref<4x128xi32, #tpu.memory_space<vmem>> -> memref<1x128xi32, #tpu.memory_space<vmem>>
    %dma_wait3A_525 = tpu.memref_squeeze %dma_wait3A_524 : memref<1x128xi32, #tpu.memory_space<vmem>> -> memref<128xi32, #tpu.memory_space<vmem>>
    %dma_wait3A_526 = arith.constant 0 : i32
    %dma_wait3A_527 = arith.constant 0 : i32
    %dma_wait3A_528 = tpu.memref_slice %arg8[%dma_wait3A_526, %dma_wait3A_527] : memref<1000000x64xf32, #tpu.memory_space<hbm>> -> memref<1000000x64xf32, #tpu.memory_space<hbm>>
    tpu.wait_indirect_dma semaphore(%arg18 : memref<!tpu.dma_semaphore, #tpu.memory_space<semaphore_mem>>) src(%dma_wait3A_528 : memref<1000000x64xf32, #tpu.memory_space<hbm>>) dst(%dma_wait3A_522 : memref<128x64xf32, #tpu.memory_space<vmem>>)
    %broadcast_in_dim3A_529 = arith.constant 0.000000e+00 : f32
    %broadcast_in_dim3A_530 = vector.broadcast %broadcast_in_dim3A_529 : f32 to vector<16xf32>
    %scan3A_531 = arith.constant 0 : i32
    %scan3A_532 = arith.constant 512 : i32
    %scan3A_533 = arith.addi %scan3A_531, %scan3A_532 : i32
    %scan3A_534 = arith.constant 1 : i32
    %scan3A_535:4 = scf.for %scan3A_543 = %scan3A_531 to %scan3A_533 step %scan3A_534 iter_args(%scan3A_544 = %broadcast_in_dim3A_530, %scan3A_545 = %broadcast_in_dim3A_530, %scan3A_546 = %broadcast_in_dim3A_530, %scan3A_547 = %broadcast_in_dim3A_530) -> (vector<16xf32>, vector<16xf32>, vector<16xf32>, vector<16xf32>)  : i32 {
      %get3A = arith.index_cast %scan3A_543 : i32 to index
      %get3A_548 = arith.constant 0 : index
      %get3A_549 = tpu.vector_load %arg14[%get3A, %get3A_548] {strides = array<i32>} : memref<512x64xf32, #tpu.memory_space<vmem>>, vector<1x16xf32>,
      %get3A_550 = vector.shape_cast %get3A_549 : vector<1x16xf32> to vector<16xf32>
      %get3A_551 = arith.index_cast %scan3A_543 : i32 to index
      %get3A_552 = arith.constant 0 : index
      %get3A_553 = tpu.vector_load %arg15[%get3A_551, %get3A_552] {strides = array<i32>} : memref<512x64xf32, #tpu.memory_space<vmem>>, vector<1x16xf32>,
      %get3A_554 = vector.shape_cast %get3A_553 : vector<1x16xf32> to vector<16xf32>
      %add3A_555 = arith.addf %get3A_550, %get3A_554 : vector<16xf32>
      %get3A_556 = arith.index_cast %scan3A_543 : i32 to index
      %get3A_557 = arith.constant 0 : index
      %get3A_558 = tpu.vector_load %arg16[%get3A_556, %get3A_557] {strides = array<i32>} : memref<512x64xf32, #tpu.memory_space<vmem>>, vector<1x16xf32>,
      %get3A_559 = vector.shape_cast %get3A_558 : vector<1x16xf32> to vector<16xf32>
      %sub3A_560 = arith.subf %add3A_555, %get3A_559 : vector<16xf32>
      %abs3A = math.absf %sub3A_560 : vector<16xf32>
      %add3A_561 = arith.addf %scan3A_544, %abs3A : vector<16xf32>
      %get3A_562 = arith.index_cast %scan3A_543 : i32 to index
      %get3A_563 = arith.constant 16 : index
      %get3A_564 = tpu.vector_load %arg14[%get3A_562, %get3A_563] {strides = array<i32>} : memref<512x64xf32, #tpu.memory_space<vmem>>, vector<1x16xf32>,
      %get3A_565 = vector.shape_cast %get3A_564 : vector<1x16xf32> to vector<16xf32>
      %get3A_566 = arith.index_cast %scan3A_543 : i32 to index
      %get3A_567 = arith.constant 16 : index
      %get3A_568 = tpu.vector_load %arg15[%get3A_566, %get3A_567] {strides = array<i32>} : memref<512x64xf32, #tpu.memory_space<vmem>>, vector<1x16xf32>,
      %get3A_569 = vector.shape_cast %get3A_568 : vector<1x16xf32> to vector<16xf32>
      %add3A_570 = arith.addf %get3A_565, %get3A_569 : vector<16xf32>
      %get3A_571 = arith.index_cast %scan3A_543 : i32 to index
      %get3A_572 = arith.constant 16 : index
      %get3A_573 = tpu.vector_load %arg16[%get3A_571, %get3A_572] {strides = array<i32>} : memref<512x64xf32, #tpu.memory_space<vmem>>, vector<1x16xf32>,
      %get3A_574 = vector.shape_cast %get3A_573 : vector<1x16xf32> to vector<16xf32>
      %sub3A_575 = arith.subf %add3A_570, %get3A_574 : vector<16xf32>
      %abs3A_576 = math.absf %sub3A_575 : vector<16xf32>
      %add3A_577 = arith.addf %scan3A_545, %abs3A_576 : vector<16xf32>
      %get3A_578 = arith.index_cast %scan3A_543 : i32 to index
      %get3A_579 = arith.constant 32 : index
      %get3A_580 = tpu.vector_load %arg14[%get3A_578, %get3A_579] {strides = array<i32>} : memref<512x64xf32, #tpu.memory_space<vmem>>, vector<1x16xf32>,
      %get3A_581 = vector.shape_cast %get3A_580 : vector<1x16xf32> to vector<16xf32>
      %get3A_582 = arith.index_cast %scan3A_543 : i32 to index
      %get3A_583 = arith.constant 32 : index
      %get3A_584 = tpu.vector_load %arg15[%get3A_582, %get3A_583] {strides = array<i32>} : memref<512x64xf32, #tpu.memory_space<vmem>>, vector<1x16xf32>,
      %get3A_585 = vector.shape_cast %get3A_584 : vector<1x16xf32> to vector<16xf32>
      %add3A_586 = arith.addf %get3A_581, %get3A_585 : vector<16xf32>
      %get3A_587 = arith.index_cast %scan3A_543 : i32 to index
      %get3A_588 = arith.constant 32 : index
      %get3A_589 = tpu.vector_load %arg16[%get3A_587, %get3A_588] {strides = array<i32>} : memref<512x64xf32, #tpu.memory_space<vmem>>, vector<1x16xf32>,
      %get3A_590 = vector.shape_cast %get3A_589 : vector<1x16xf32> to vector<16xf32>
      %sub3A_591 = arith.subf %add3A_586, %get3A_590 : vector<16xf32>
      %abs3A_592 = math.absf %sub3A_591 : vector<16xf32>
      %add3A_593 = arith.addf %scan3A_546, %abs3A_592 : vector<16xf32>
      %get3A_594 = arith.index_cast %scan3A_543 : i32 to index
      %get3A_595 = arith.constant 48 : index
      %get3A_596 = tpu.vector_load %arg14[%get3A_594, %get3A_595] {strides = array<i32>} : memref<512x64xf32, #tpu.memory_space<vmem>>, vector<1x16xf32>,
      %get3A_597 = vector.shape_cast %get3A_596 : vector<1x16xf32> to vector<16xf32>
      %get3A_598 = arith.index_cast %scan3A_543 : i32 to index
      %get3A_599 = arith.constant 48 : index
      %get3A_600 = tpu.vector_load %arg15[%get3A_598, %get3A_599] {strides = array<i32>} : memref<512x64xf32, #tpu.memory_space<vmem>>, vector<1x16xf32>,
      %get3A_601 = vector.shape_cast %get3A_600 : vector<1x16xf32> to vector<16xf32>
      %add3A_602 = arith.addf %get3A_597, %get3A_601 : vector<16xf32>
      %get3A_603 = arith.index_cast %scan3A_543 : i32 to index
      %get3A_604 = arith.constant 48 : index
      %get3A_605 = tpu.vector_load %arg16[%get3A_603, %get3A_604] {strides = array<i32>} : memref<512x64xf32, #tpu.memory_space<vmem>>, vector<1x16xf32>,
      %get3A_606 = vector.shape_cast %get3A_605 : vector<1x16xf32> to vector<16xf32>
      %sub3A_607 = arith.subf %add3A_602, %get3A_606 : vector<16xf32>
      %abs3A_608 = math.absf %sub3A_607 : vector<16xf32>
      %add3A_609 = arith.addf %scan3A_547, %abs3A_608 : vector<16xf32>
      scf.yield %add3A_561, %add3A_577, %add3A_593, %add3A_609 : vector<16xf32>, vector<16xf32>, vector<16xf32>, vector<16xf32>
    }
    %scan3A_536 = arith.constant 512 : i32
    %add3A_537 = arith.addf %scan3A_535#0, %scan3A_535#1 : vector<16xf32>
    %add3A_538 = arith.addf %add3A_537, %scan3A_535#2 : vector<16xf32>
    %add3A_539 = arith.addf %add3A_538, %scan3A_535#3 : vector<16xf32>
    %sub3A = arith.subf %add3A_539, %add3A_268 : vector<16xf32>
    %swap3A = arith.constant 0 : index
    %swap3A_540 = tpu.vector_load %arg17[%swap3A] {strides = array<i32>} : memref<16xf32, #tpu.memory_space<vmem>>, vector<16xf32>,
    %swap3A_541 = vector.shape_cast %swap3A_540 : vector<16xf32> to vector<16xf32>
    %swap3A_542 = vector.shape_cast %sub3A : vector<16xf32> to vector<16xf32>
    tpu.vector_store %arg17[%swap3A], %swap3A_542 {strides = array<i32>} : memref<16xf32, #tpu.memory_space<vmem>>, vector<16xf32>,
    "tpu.region"() ({
      %run_scoped3A_543 = tpu.sem_alloc : memref<!tpu.dma_semaphore, #tpu.memory_space<semaphore_mem>>
      %dma_start3A_544 = arith.constant 0 : i32
      %dma_start3A_545 = tpu.memref_slice %arg10[%add3A, %dma_start3A_544] : memref<32x16xf32, #tpu.memory_space<hbm>> -> memref<1x16xf32, #tpu.memory_space<hbm>>
      %dma_start3A_546 = tpu.memref_squeeze %dma_start3A_545 : memref<1x16xf32, #tpu.memory_space<hbm>> -> memref<16xf32, #tpu.memory_space<hbm>>
      %dma_start3A_547 = arith.constant 0 : i32
      %dma_start3A_548 = tpu.memref_slice %arg10[%add3A, %dma_start3A_547] : memref<32x16xf32, #tpu.memory_space<hbm>> -> memref<1x16xf32, #tpu.memory_space<hbm>>
      %dma_start3A_549 = tpu.memref_squeeze %dma_start3A_548 : memref<1x16xf32, #tpu.memory_space<hbm>> -> memref<16xf32, #tpu.memory_space<hbm>>
      tpu.enqueue_dma source(%arg17 : memref<16xf32, #tpu.memory_space<vmem>>) target(%dma_start3A_549 : memref<16xf32, #tpu.memory_space<hbm>>) target_semaphore(%run_scoped3A_543 : memref<!tpu.dma_semaphore, #tpu.memory_space<semaphore_mem>>)
      %dma_wait3A_550 = arith.constant 0 : i32
      %dma_wait3A_551 = tpu.memref_slice %arg10[%add3A, %dma_wait3A_550] : memref<32x16xf32, #tpu.memory_space<hbm>> -> memref<1x16xf32, #tpu.memory_space<hbm>>
      %dma_wait3A_552 = tpu.memref_squeeze %dma_wait3A_551 : memref<1x16xf32, #tpu.memory_space<hbm>> -> memref<16xf32, #tpu.memory_space<hbm>>
      %dma_wait3A_553 = arith.constant 0 : i32
      %dma_wait3A_554 = tpu.memref_slice %arg10[%add3A, %dma_wait3A_553] : memref<32x16xf32, #tpu.memory_space<hbm>> -> memref<1x16xf32, #tpu.memory_space<hbm>>
      %dma_wait3A_555 = tpu.memref_squeeze %dma_wait3A_554 : memref<1x16xf32, #tpu.memory_space<hbm>> -> memref<16xf32, #tpu.memory_space<hbm>>
      tpu.wait_dma2 semaphore(%run_scoped3A_543 : memref<!tpu.dma_semaphore, #tpu.memory_space<semaphore_mem>>) src(%arg17 : memref<16xf32, #tpu.memory_space<vmem>>) dst(%dma_wait3A_555 : memref<16xf32, #tpu.memory_space<hbm>>)
      tpu.yield
    }) : () -> ()
    return
  }
}

module attributes {stable_mosaic.version = 14 : i64} {
  func.func @_combine_body(%arg0: memref<32x16xf32, #tpu.memory_space<vmem>>, %arg1: memref<1x1xf32, #tpu.memory_space<vmem>>) attributes {dimension_semantics = [], scalar_prefetch = 0 : i64, scratch_operands = 0 : i64, tpu.core_type = #tpu.core_type<tc>} {
    %get3A = arith.constant 0 : index
    %get3A_0 = arith.constant 0 : index
    %get3A_1 = vector.load %arg0[%get3A, %get3A_0] : memref<32x16xf32, #tpu.memory_space<vmem>>, vector<32x16xf32>
    %reduce_sum3A = vector.shape_cast %get3A_1 : vector<32x16xf32> to vector<1x32x16xf32>
    %reduce_sum3A_2 = arith.constant dense<0.000000e+00> : vector<1xf32>
    %reduce_sum3A_3 = vector.multi_reduction <add>, %reduce_sum3A, %reduce_sum3A_2 [1, 2] : vector<1x32x16xf32> to vector<1xf32>
    %reduce_sum3A_4 = vector.shape_cast %reduce_sum3A_3 : vector<1xf32> to vector<1x1x1xf32>
    %reduce_sum3A_5 = vector.extract %reduce_sum3A_4[0, 0, 0] : f32 from vector<1x1x1xf32>
    %add3A = arith.constant 1.000000e+00 : f32
    %add3A_6 = arith.addf %reduce_sum3A_5, %add3A : f32
    %max3A = arith.constant 0.000000e+00 : f32
    %max3A_7 = arith.maximumf %add3A_6, %max3A : f32
    %reshape3A = vector.broadcast %max3A_7 : f32 to vector<1x1xf32>
    %swap3A = arith.constant 0 : index
    %swap3A_8 = arith.constant 0 : index
    %swap3A_9 = vector.load %arg1[%swap3A, %swap3A_8] : memref<1x1xf32, #tpu.memory_space<vmem>>, vector<1x1xf32>
    tpu.vector_store %arg1[%swap3A, %swap3A_8], %reshape3A {strides = array<i32>} : memref<1x1xf32, #tpu.memory_space<vmem>>, vector<1x1xf32>,
    return
  }
}

</mosaic_0001>

<sc_bundles>
// kernel: kernel.4.cloned.1.call-start
scs
__scs_entry_jumppad:
0x0: {  	(pc) =	sbr.rel $0x88, $3  }
0x1: {  	(tag) =	ssettag $0x0;
	lr =	simm.s32 $0x1  }
0x2: {  	[smem:$0x3F9D] =	sst lr;
	_ =	strace $0xD0000000  }
0x3: {  	_ = 	snop  }
0x4: {  	_ = 	snop  }
0x5: {  	_ = 	snop  }
0x6: {  	_ = 	snop  }
0x7: {  	_ = 	snop  }
__scs_overlays_trampoline_lowered:
0x8: {  	[smem:$0x3FAC] =	sst s0  }
0x9: {  	[smem:$0x3FAD] =	sst s1  }
0xa: {  	[smem:$0x3FAE] =	sst s2  }
0xb: {  	[smem:$0x3FAF] =	sst s3  }
0xc: {  	[smem:$0x3FB0] =	sst s4  }
0xd: {  	[smem:$0x3FB1] =	sst s5  }
0xe: {  	[smem:$0x3FB2] =	sst s6  }
0xf: {  	[smem:$0x3FB3] =	sst s7  }
0x10: {  	[smem:$0x3FB4] =	sst s8  }
0x11: {  	[smem:$0x3FB5] =	sst s9;
	s0 =	simm.s32 @!p0 $0x0  }
0x12: {  	s1 =	sld [smem:$0x3F9B];
	s0 =	simm.s32 @p0 $0x1  }
0x13: {  	[smem:$0x3FB6] =	sst s0;
	s0 =	simm.s32 @!p1 $0x0  }
0x14: {  	s2 =	sld [smem:$0x3F9A];
	s0 =	simm.s32 @p1 $0x1  }
0x15: {  	[smem:$0x3FB7] =	sst s0;
	s0 =	simm.s32 @!p2 $0x0  }
0x16: {  	s3 =	sld [smem:$0x3FDB];
	s0 =	simm.s32 @p2 $0x1  }
0x17: {  	s4 =	simm.s32 $0x1BF5;
	[smem:$0x3FB9] =	sst s0  }
0x18: {  	s0 =	sld [smem:$0x3F9C];
	_ =	swait.ge [sflag:s4], $0x0  }
0x19: {  	s7 =	sld [smem:$0x3F9D]  }
0x1a: {  	s8 =	sadd.s32 $0xFFFFE003, lr  }
0x1b: {  	s9 =	sadd.s32 $0xFFFFFEF7, lr;
	s5 =	simm.s32 $0xFFFFFFFF;
	p2 =	slt.u32 s8, $0xFFFFF086  }
0x1c: {  	p1 =	slt.u32 s9, $0xF7A;
	s5 =	simm.s32 @!p2 $0x0  }
0x1d: {  	s5 =	simm.s32 @p1 $0x1;
	p0 =	seq.s32 s7, s2  }
0x1e: {  	s7 =	smul.u32 @!p0 $0xF7A, s2;
	p2 =	seq.s32 @!p0 s5, $0x0  }
0x1f: {  	s9 =	smul.u32 $0xF7A, s1;
	s8 =	simm.s32 @!p0 $0x1BF5;
	p2 =	por !p2, p0  }
0x20: {  	[sflag:s8] =	ssyncset.s32 @!p0 $0xFFFFF086;
	s6 =	sadd.s32 @!p0 s3, s7;
	s7 =	simm.s32 @!p0 $0x108  }
0x21: {  	s3 =	sadd.s32 s3, s9;
	s6 =	sadd.s32 @!p0 $0x88, s6;
	s7 =	simm.s32 @p2 $0x1082  }
0x22: {  	[simem:s7], [sflag:s8] =	dma.local @!p0 [hbm:s6], $0xF7A  }
0x23: {  	s9 =	sor.u32 $0xD0000000, s2;
	s6 =	simm.s32 $0x108;
	_ =	swait.ge @!p0 [sflag:s8], $0x0  }
0x24: {  	s3 =	sadd.s32 $0x88, s3;
	s6 =	simm.s32 @!p1 $0x1082;
	[sflag:s4] =	ssyncset.s32 $0xFFFFF086  }
0x25: {  	[simem:s6], [sflag:s4] =	dma.local [hbm:s3], $0xF7A  }
0x26: {  	[smem:$0x3F9D] =	sst s1;
	(tag) =	ssettag s2;
	_ =	strace s9  }
0x27: {  	s1 =	sld [smem:$0x3FAD]  }
0x28: {  	s2 =	sld [smem:$0x3FAE]  }
0x29: {  	s4 =	sld [smem:$0x3FB0]  }
0x2a: {  	p0 =	seq.s32 s5, $0x0;
	s5 =	sld [smem:$0x3FB1]  }
0x2b: {  	s6 =	sld [smem:$0x3FB2]  }
0x2c: {  	s7 =	sld [smem:$0x3FB3]  }
0x2d: {  	s3 =	simm.s32 $0x108;
	s8 =	sld [smem:$0x3FB4]  }
0x2e: {  	s3 =	simm.s32 @!p0 $0x1082;
	s9 =	sld [smem:$0x3FB5]  }
0x2f: {  	lr =	sadd.s32 s0, s3;
	s0 =	sld [smem:$0x3FAC]  }
0x30: {  	s3 =	sld [smem:$0x3FAF]  }
0x31: {  	[smem:$0x3FB8] =	sst s10  }
0x32: {  	s10 =	sld [smem:$0x3FB6];
	_ =	sdelay $0x3  }
0x33: {  	p0 =	seq.s32 s10, $0x1;
	s10 =	sld [smem:$0x3FB8];
	_ =	sdelay $0x3  }
0x34: {  	[smem:$0x3FB8] =	sst s10  }
0x35: {  	s10 =	sld [smem:$0x3FB7];
	_ =	sdelay $0x3  }
0x36: {  	p1 =	seq.s32 s10, $0x1;
	s10 =	sld [smem:$0x3FB8];
	_ =	sdelay $0x3  }
0x37: {  	[smem:$0x3FB8] =	sst s10  }
0x38: {  	s10 =	sld [smem:$0x3FB9]  }
0x39: {  	_ = 	snop;
	(pc) =	sbr.ind lr, $3  }
0x3a: {  	_ = 	snop  }
0x3b: {  	_ = 	snop  }
0x3c: {  	p2 =	seq.s32 s10, $0x1;
	s10 =	sld [smem:$0x3FB8]  }
0x3d: {  	_ =	shalt  }
0x3e: {  	_ =	shalt  }
0x3f: {  	_ =	shalt  }
0x40: {  	_ =	shalt  }
0x41: {  	_ =	shalt  }
0x42: {  	_ =	shalt  }
0x43: {  	_ =	shalt  }
0x44: {  	_ =	shalt  }
0x45: {  	_ =	shalt  }
0x46: {  	_ =	shalt  }
0x47: {  	_ =	shalt  }
0x48: {  	_ =	shalt  }
0x49: {  	_ =	shalt  }
0x4a: {  	_ =	shalt  }
0x4b: {  	_ =	shalt  }
0x4c: {  	_ =	shalt  }
0x4d: {  	_ =	shalt  }
0x4e: {  	_ =	shalt  }
0x4f: {  	_ =	shalt  }
0x50: {  	_ =	shalt  }
0x51: {  	_ =	shalt  }
0x52: {  	_ =	shalt  }
0x53: {  	_ =	shalt  }
0x54: {  	_ =	shalt  }
0x55: {  	_ =	shalt  }
0x56: {  	_ =	shalt  }
0x57: {  	_ =	shalt  }
0x58: {  	_ =	shalt  }
0x59: {  	_ =	shalt  }
0x5a: {  	_ =	shalt  }
0x5b: {  	_ =	shalt  }
0x5c: {  	_ =	shalt  }
0x5d: {  	_ =	shalt  }
0x5e: {  	_ =	shalt  }
0x5f: {  	_ =	shalt  }
0x60: {  	_ =	shalt  }
0x61: {  	_ =	shalt  }
0x62: {  	_ =	shalt  }
0x63: {  	_ =	shalt  }
0x64: {  	_ =	shalt  }
0x65: {  	_ =	shalt  }
0x66: {  	_ =	shalt  }
0x67: {  	_ =	shalt  }
0x68: {  	_ =	shalt  }
0x69: {  	_ =	shalt  }
0x6a: {  	_ =	shalt  }
0x6b: {  	_ =	shalt  }
0x6c: {  	_ =	shalt  }
0x6d: {  	_ =	shalt  }
0x6e: {  	_ =	shalt  }
0x6f: {  	_ =	shalt  }
0x70: {  	_ =	shalt  }
0x71: {  	_ =	shalt  }
0x72: {  	_ =	shalt  }
0x73: {  	_ =	shalt  }
0x74: {  	_ =	shalt  }
0x75: {  	_ =	shalt  }
0x76: {  	_ =	shalt  }
0x77: {  	_ =	shalt  }
0x78: {  	_ =	shalt  }
0x79: {  	_ =	shalt  }
0x7a: {  	_ =	shalt  }
0x7b: {  	_ =	shalt  }
0x7c: {  	_ =	shalt  }
0x7d: {  	_ =	shalt  }
0x7e: {  	_ =	shalt  }
0x7f: {  	_ =	shalt  }
0x80: {  	_ =	shalt  }
0x81: {  	_ =	shalt  }
0x82: {  	_ =	shalt  }
0x83: {  	_ =	shalt  }
0x84: {  	_ =	shalt  }
0x85: {  	_ =	shalt  }
0x86: {  	_ =	shalt  }
0x87: {  	_ =	shalt  }
.Lfunc_end0:
.L_simem_size_0:
called_computation_lowered:
.L_overlay_start_0:
0x88: {  	s2 =	sld [smem:$0x3FD9]  }
0x89: {  	s3 =	sld [smem:$0x3FFE];
	_ =	sdelay $0x1  }
0x8a: {  	s1 =	srdreg.scid  }
0x8b: {  	s0 =	sand.u32 $0x1, s1  }
0x8c: {  	s16 =	sshll.u32 s0, $0xA;
	s2 =	sadd.s32 s3, s2  }
0x8d: {  	s2 =	sadd.s32 s2, s16  }
0x8e: {  	[smem:$0x3FC4] =	sst s2  }
0x8f: {  	_ = 	snop  }
0x90: {  	(tm) =	ssettm $0x1  }
0x91: {  	s17 =	sld [smem:$0x3FFB];
	_ =	sdelay $0x3  }
0x92: {  	_ =	strace s17  }
0x93: {  	s2 =	sld [smem:$0x3FFC];
	_ =	sdelay $0x3  }
0x94: {  	_ =	strace s2  }
0x95: {  	s2 =	sld [smem:$0x3FFD];
	_ =	sdelay $0x3  }
0x96: {  	_ =	strace s2  }
0x97: {  	_ =	strace $0x8FFFFFFF  }
0x98: {  	s18 =	sld [smem:$0x3FDB];
	_ =	sdelay $0x1  }
0x99: {  	s19 =	simm.s32 $_scs_section_size  }
0x9a: {  	s4 =	simm.s32 $_size__tile_overlayer_lowered;
	s5 =	simm.s32 $_tile_overlayer_lowered  }
0x9b: {  	s22 =	simm.s32 $0x1BFF;
	s21 =	sshll.u32 s5, $0x1;
	s2 =	sadd.s32 s19, s18  }
0x9c: {  	s6 =	simm.s32 $0x0;
	s20 =	sshll.u32 s4, $0x1;
	s4 =	sadd.s32 s21, s2  }
0x9d: {  	[timem:s6], [sflag:s22] =	dma.local [hbm:s4], s20  }
0x9e: {  	_ =	swait.ge [sflag:s22], s20  }
0x9f: {  	s3 =	ssub.s32 $0x0, s20;
	[sflag:s22] =	ssyncset.done $0x0  }
0xa0: {  	[sflag:s22] =	ssyncadd.s32 s3;
	_ =	sdelay $0x1  }
0xa1: {  	s23 =	simm.s32 $0x1B8B  }
0xa2: {  	_ =	swait.ge [sflag:s23], $0x1  }
0xa3: {  	[sflag:s23] =	ssyncset.done $0x0  }
0xa4: {  	s25 =	simm.s32 $0x1B8E;
	s24 =	sld [smem:$0x3FFE];
	[sflag:s23] =	ssyncadd.s32 $0xFFFFFFFF  }
0xa5: {  	s26 =	simm.s32 $execute0_lowered;
	[smem:$0x3FD2] =	sst s25  }
0xa6: {  	s4 =	sshll.u32 s26, $0x1;
	_ =	strace $0x80000046;
	[dreg:$0x1] =	wrdreg $0xFFFFFFFF  }
0xa7: {  	s28 =	simm.s32 $_size_execute0_lowered;
	s2 =	sadd.s32 s2, s4;
	[dreg:$0x0] =	wrdreg $0x0  }
0xa8: {  	s4 =	sshll.u32 s28, $0x1;
	[dreg:$0x2] =	wrdreg s2  }
0xa9: {  	[dreg:$0x3] =	wrdreg s4  }
0xaa: {  	[dreg:$0x4] =	wrdreg $0xC0  }
0xab: {  	_ =	task [dreg:s6], $0x5FFFF  }
0xac: {  	[dreg:$0x1] =	wrdreg $0xFFFFFFFF  }
0xad: {  	[dreg:$0x0] =	wrdreg $0x60  }
0xae: {  	[dreg:$0x2] =	wrdreg s24  }
0xaf: {  	[dreg:$0x3] =	wrdreg $0x9  }
0xb0: {  	_ =	task.clear_ibuf [dreg:s6], $0x4FFFF;
	_ =	strace $0x90000046  }
0xb1: {  	s29 =	simm.s32 $0x9;
	_ =	strace $0x80000048  }
0xb2: {  	_ =	swait.ge [sflag:s29], $0x1  }
0xb3: {  	[sflag:s29] =	ssyncadd.s32 $0xFFFFFFFF  }
0xb4: {  	_ =	strace $0x90000048  }
0xb5: {  	_ =	sfence  }
0xb6: {  	s30 =	sld [smem:$0x0];
	_ =	sdelay $0x2  }
0xb7: {  	s31 =	sshll.u32 s1, $0xD;
	s1 =	sshrl.u32 s1, $0x2  }
0xb8: {  	s3 =	sand.u32 $0x4000, s31;
	s1 =	sadd.s32 s1, s30  }
0xb9: {  	s0 =	sor.u32 s3, s0;
	s1 =	sshll.u32 s1, $0x11  }
0xba: {  	s0 =	sor.u32 s1, s0  }
0xbb: {  	s0 =	sadd.s32 $0x8F2B, s0  }
0xbc: {  	[sflag:s0] =	ssyncadd.remote.s32 $0x1  }
0xbd: {  	_ =	sfence.sel $0xFFFF  }
0xbe: {  	[dreg:$0x0] =	wrdreg $0xFFFFFFFF;
	(pc) =	sbr.abs _section_cstart, $3  }
0xbf: {  	[dreg:$0x1] =	wrdreg $0xFFFFFFFF  }
0xc0: {  	_ =	task.clear_ibuf [dreg:s6], $0x2FFFF;
	_ =	strace $0x9FFFFFFF  }
0xc1: {  	(tm) =	ssettm $0x7FFFFFFF  }
tec
execute0_lowered:
.L_overlay_start_1:
0x0: {  	(tag) =	ssettag $0x1  }
0x1: {  	s5 =	srdreg.scid;
	s7 =	stileid.u32  }
0x2: {  	s5 =	sand.u32 $0x1, s5;
	s7 =	sshll.u32 s7, $0x1  }
0x3: {  	s1 =	rddreg [dreg:$0x0];
	s7 =	sor.u32 s5, s7  }
0x4: {  	s0 =	simm.s32 $0x0;
	s2 =	sadd.s32 $0x1800, s1;
	s11 =	sshll.u32 s7, $0x6  }
0x5: {  	[smem:$0x7FF] =	sst s0;
	s3 =	sadd.s32 $0x1000, s1;
	s20 =	sadd.s32 s2, s11  }
0x6: {  	s4 =	sadd.s32 $0x800, s1;
	s12 =	sadd.s32 s3, s11;
	[dreg:$0x2] =	wrdreg s20  }
0x7: {  	s8 =	sadd.s32 $0x2800, s1;
	s22 =	sadd.s32 s4, s11;
	[dreg:$0x3] =	wrdreg s12  }
0x8: {  	s9 =	sadd.s32 $0x2000, s1;
	s15 =	sadd.s32 s8, s11;
	[dreg:$0x4] =	wrdreg s22  }
0x9: {  	s21 =	sor.u32 $0x10, s11;
	s16 =	sadd.s32 s9, s11;
	[dreg:$0xf] =	wrdreg s15  }
0xa: {  	s23 =	sadd.s32 s2, s21;
	[dreg:$0x10] =	wrdreg s16  }
0xb: {  	s6 =	sadd.s32 $0x3000, s1;
	s24 =	sadd.s32 s3, s21;
	[dreg:$0x5] =	wrdreg s23  }
0xc: {  	s26 =	sor.u32 $0x20, s11;
	s25 =	sadd.s32 s4, s21;
	[dreg:$0x6] =	wrdreg s24  }
0xd: {  	s28 =	sadd.s32 $0xF45C00, s1;
	s13 =	sadd.s32 s2, s26;
	[dreg:$0x7] =	wrdreg s25  }
0xe: {  	s29 =	sadd.s32 $0x16E6E00, s1;
	s30 =	sadd.s32 s3, s26;
	[dreg:$0x8] =	wrdreg s13  }
0xf: {  	s31 =	sor.u32 $0x30, s11;
	s14 =	sadd.s32 s4, s26;
	[dreg:$0x9] =	wrdreg s30  }
0x10: {  	s5 =	ssub.s32 $0x2, s5;
	s2 =	sadd.s32 s2, s31;
	[dreg:$0xa] =	wrdreg s14  }
0x11: {  	s10 =	sshrl.u32 s5, $0x1;
	s3 =	sadd.s32 s3, s31;
	[dreg:$0xb] =	wrdreg s2  }
0x12: {  	s5 =	ssub.s32 s5, s10;
	s4 =	sadd.s32 s4, s31;
	[dreg:$0xc] =	wrdreg s3  }
0x13: {  	s10 =	simm.s32 $0x380;
	s17 =	sadd.s32 s6, s21;
	[dreg:$0xd] =	wrdreg s4  }
0x14: {  	s18 =	sadd.s32 s8, s21;
	s19 =	sadd.s32 s9, s21;
	[dreg:$0x11] =	wrdreg s17  }
0x15: {  	s20 =	sadd.s32 s6, s26;
	s21 =	sadd.s32 s8, s26;
	[dreg:$0x12] =	wrdreg s18  }
0x16: {  	s22 =	sadd.s32 s9, s26;
	s26 =	sshll.u32 s7, $0x1;
	[dreg:$0x13] =	wrdreg s19  }
0x17: {  	s7 =	simm.s32 $0x300;
	s12 =	simm.s32 $0x600;
	[dreg:$0x14] =	wrdreg s20  }
0x18: {  	s15 =	simm.s32 $0x2600;
	s16 =	simm.s32 $0xA600;
	[dreg:$0x15] =	wrdreg s21  }
0x19: {  	s14 =	sadd.s32 s6, s11;
	[dreg:$0x16] =	wrdreg s22;
	s23 =	sadd.s32 s6, s31  }
0x1a: {  	s24 =	sadd.s32 s8, s31;
	s25 =	sadd.s32 s9, s31;
	s2 =	sadd.s32 s26, s1  }
0x1b: {  	s31 =	smax.u32 s5, $0x1;
	s21 =	simm.s32 $0x2;
	s1 =	simm.s32 $0x200  }
0x1c: {  	s3 =	simm.s32 $0x80;
	s4 =	simm.s32 $0x280;
	s5 =	simm.s32 $0x480  }
0x1d: {  	s6 =	simm.s32 $0x100;
	s8 =	simm.s32 $0x500;
	s9 =	simm.s32 $0x180  }
0x1e: {  	s11 =	simm.s32 $0x580;
	s13 =	simm.s32 $0x8600;
	[dreg:$0xe] =	wrdreg s14  }
0x1f: {  	s17 =	simm.s32 $0x12600;
	s18 =	simm.s32 $0x4600;
	[dreg:$0x17] =	wrdreg s23  }
0x20: {  	s19 =	simm.s32 $0xC600;
	s20 =	simm.s32 $0x14600;
	[dreg:$0x18] =	wrdreg s24  }
0x21: {  	s22 =	simm.s32 $0x6600;
	s26 =	simm.s32 $0x0;
	[dreg:$0x19] =	wrdreg s25  }
0x22: {  	s30 =	sadd.s32 $0x3800, s2;
	s2 =	simm.s32 $0x400;
	s14 =	simm.s32 $0x10600  }
0x23: {  	s23 =	simm.s32 $0xE600;
	_ =	strace $0x80000047;
	[dreg:$0x1a] =	wrdreg s30  }
0x24: {  	s24 =	simm.s32 $0x16600;
	s25 =	simm.s32 $0x1;
	[dreg:$0x1b] =	wrdreg s31  }
.LBB2_1:
0x25: {  	s30 =	rddreg [dreg:$0x2]  }
0x26: {  	[tilespmem:s0], [sflag:$0x2] =	stream.linear.gather [hbm4b:s30+s0], $0x80, $0x38;
	[tilespmem:$0x18610] =	vst v63  }
0x27: {  	_ =	swait.ge [sflag:s21], $0x80  }
0x28: {  	[sflag:s21] =	ssyncset.done $0x0  }
0x29: {  	s30 =	rddreg [dreg:$0x3];
	[sflag:s21] =	ssyncadd.s32 $0xFFFFFF80  }
0x2a: {  	[tilespmem:s1], [sflag:$0x2] =	stream.linear.gather [hbm4b:s30+s0], $0x80, $0x38;
	[tilespmem:$0x18610] =	vst v63  }
0x2b: {  	_ =	swait.ge [sflag:s21], $0x80  }
0x2c: {  	[sflag:s21] =	ssyncset.done $0x0  }
0x2d: {  	s30 =	rddreg [dreg:$0x4];
	[sflag:s21] =	ssyncadd.s32 $0xFFFFFF80  }
0x2e: {  	[tilespmem:s2], [sflag:$0x2] =	stream.linear.gather [hbm4b:s30+s0], $0x80, $0x38;
	[tilespmem:$0x18610] =	vst v63  }
0x2f: {  	_ =	swait.ge [sflag:s21], $0x80  }
0x30: {  	[sflag:s21] =	ssyncset.done $0x0  }
0x31: {  	s30 =	rddreg [dreg:$0x5];
	[sflag:s21] =	ssyncadd.s32 $0xFFFFFF80  }
0x32: {  	[tilespmem:s3], [sflag:$0x2] =	stream.linear.gather [hbm4b:s30+s0], $0x80, $0x38;
	[tilespmem:$0x18610] =	vst v63  }
0x33: {  	_ =	swait.ge [sflag:s21], $0x80  }
0x34: {  	[sflag:s21] =	ssyncset.done $0x0  }
0x35: {  	s30 =	rddreg [dreg:$0x6];
	[sflag:s21] =	ssyncadd.s32 $0xFFFFFF80  }
0x36: {  	[tilespmem:s4], [sflag:$0x2] =	stream.linear.gather [hbm4b:s30+s0], $0x80, $0x38;
	[tilespmem:$0x18610] =	vst v63  }
0x37: {  	_ =	swait.ge [sflag:s21], $0x80  }
0x38: {  	[sflag:s21] =	ssyncset.done $0x0  }
0x39: {  	s30 =	rddreg [dreg:$0x7];
	[sflag:s21] =	ssyncadd.s32 $0xFFFFFF80  }
0x3a: {  	[tilespmem:s5], [sflag:$0x2] =	stream.linear.gather [hbm4b:s30+s0], $0x80, $0x38;
	[tilespmem:$0x18610] =	vst v63  }
0x3b: {  	_ =	swait.ge [sflag:s21], $0x80  }
0x3c: {  	[sflag:s21] =	ssyncset.done $0x0  }
0x3d: {  	s30 =	rddreg [dreg:$0x8];
	[sflag:s21] =	ssyncadd.s32 $0xFFFFFF80  }
0x3e: {  	[tilespmem:s6], [sflag:$0x2] =	stream.linear.gather [hbm4b:s30+s0], $0x80, $0x38;
	[tilespmem:$0x18610] =	vst v63  }
0x3f: {  	_ =	swait.ge [sflag:s21], $0x80  }
0x40: {  	[sflag:s21] =	ssyncset.done $0x0  }
0x41: {  	s30 =	rddreg [dreg:$0x9];
	[sflag:s21] =	ssyncadd.s32 $0xFFFFFF80  }
0x42: {  	[tilespmem:s7], [sflag:$0x2] =	stream.linear.gather [hbm4b:s30+s0], $0x80, $0x38;
	[tilespmem:$0x18610] =	vst v63  }
0x43: {  	_ =	swait.ge [sflag:s21], $0x80  }
0x44: {  	[sflag:s21] =	ssyncset.done $0x0  }
0x45: {  	s30 =	rddreg [dreg:$0xa];
	[sflag:s21] =	ssyncadd.s32 $0xFFFFFF80  }
0x46: {  	[tilespmem:s8], [sflag:$0x2] =	stream.linear.gather [hbm4b:s30+s0], $0x80, $0x38;
	[tilespmem:$0x18610] =	vst v63  }
0x47: {  	_ =	swait.ge [sflag:s21], $0x80  }
0x48: {  	[sflag:s21] =	ssyncset.done $0x0  }
0x49: {  	s30 =	rddreg [dreg:$0xb];
	[sflag:s21] =	ssyncadd.s32 $0xFFFFFF80  }
0x4a: {  	[tilespmem:s9], [sflag:$0x2] =	stream.linear.gather [hbm4b:s30+s0], $0x80, $0x38;
	[tilespmem:$0x18610] =	vst v63  }
0x4b: {  	_ =	swait.ge [sflag:s21], $0x80  }
0x4c: {  	[sflag:s21] =	ssyncset.done $0x0  }
0x4d: {  	s30 =	rddreg [dreg:$0xc];
	[sflag:s21] =	ssyncadd.s32 $0xFFFFFF80  }
0x4e: {  	[tilespmem:s10], [sflag:$0x2] =	stream.linear.gather [hbm4b:s30+s0], $0x80, $0x38;
	[tilespmem:$0x18610] =	vst v63  }
0x4f: {  	_ =	swait.ge [sflag:s21], $0x80  }
0x50: {  	[sflag:s21] =	ssyncset.done $0x0  }
0x51: {  	s30 =	rddreg [dreg:$0xd];
	[sflag:s21] =	ssyncadd.s32 $0xFFFFFF80  }
0x52: {  	[tilespmem:s11], [sflag:$0x2] =	stream.linear.gather [hbm4b:s30+s0], $0x80, $0x38;
	[tilespmem:$0x18610] =	vst v63  }
0x53: {  	_ =	swait.ge [sflag:s21], $0x80  }
0x54: {  	[sflag:s21] =	ssyncset.done $0x0  }
0x55: {  	[sflag:s21] =	ssyncadd.s32 $0xFFFFFF80  }
0x56: {  	[tilespmem:s12], [sflag:$0x1] =	stream.indirect.gather [hbm4b:s28+s3], $0x40, s0, s3, $0xb8;
	[tilespmem:$0x18610] =	vst v63  }
0x57: {  	_ = 	snop  }
0x58: {  	[tilespmem:s13], [sflag:$0x1] =	stream.indirect.gather [hbm4b:s29+s3], $0x40, s1, s3, $0xb8;
	[tilespmem:$0x18610] =	vst v63  }
0x59: {  	_ = 	snop  }
0x5a: {  	[tilespmem:s14], [sflag:$0x1] =	stream.indirect.gather [hbm4b:s28+s3], $0x40, s2, s3, $0xb8;
	[tilespmem:$0x18610] =	vst v63  }
0x5b: {  	_ = 	snop  }
0x5c: {  	[tilespmem:s15], [sflag:$0x1] =	stream.indirect.gather [hbm4b:s28+s3], $0x40, s3, s3, $0xb8;
	[tilespmem:$0x18610] =	vst v63  }
0x5d: {  	_ = 	snop  }
0x5e: {  	[tilespmem:s16], [sflag:$0x1] =	stream.indirect.gather [hbm4b:s29+s3], $0x40, s4, s3, $0xb8;
	[tilespmem:$0x18610] =	vst v63  }
0x5f: {  	_ = 	snop  }
0x60: {  	[tilespmem:s17], [sflag:$0x1] =	stream.indirect.gather [hbm4b:s28+s3], $0x40, s5, s3, $0xb8;
	[tilespmem:$0x18610] =	vst v63  }
0x61: {  	_ = 	snop  }
0x62: {  	[tilespmem:s18], [sflag:$0x1] =	stream.indirect.gather [hbm4b:s28+s3], $0x40, s6, s3, $0xb8;
	[tilespmem:$0x18610] =	vst v63  }
0x63: {  	_ = 	snop  }
0x64: {  	[tilespmem:s19], [sflag:$0x1] =	stream.indirect.gather [hbm4b:s29+s3], $0x40, s7, s3, $0xb8;
	[tilespmem:$0x18610] =	vst v63  }
0x65: {  	_ = 	snop  }
0x66: {  	[tilespmem:s20], [sflag:$0x1] =	stream.indirect.gather [hbm4b:s28+s3], $0x40, s8, s3, $0xb8;
	[tilespmem:$0x18610] =	vst v63  }
0x67: {  	_ = 	snop  }
0x68: {  	[tilespmem:s22], [sflag:$0x1] =	stream.indirect.gather [hbm4b:s28+s3], $0x40, s9, s3, $0xb8;
	[tilespmem:$0x18610] =	vst v63  }
0x69: {  	_ = 	snop  }
0x6a: {  	[tilespmem:s23], [sflag:$0x1] =	stream.indirect.gather [hbm4b:s29+s3], $0x40, s10, s3, $0xb8;
	[tilespmem:$0x18610] =	vst v63  }
0x6b: {  	_ = 	snop  }
0x6c: {  	[tilespmem:s24], [sflag:$0x1] =	stream.indirect.gather [hbm4b:s28+s3], $0x40, s11, s3, $0xb8;
	[tilespmem:$0x18610] =	vst v63  }
0x6d: {  	_ =	swait.ge [sflag:s25], $0x2000  }
0x6e: {  	[sflag:s25] =	ssyncset.done $0x0  }
0x6f: {  	[sflag:s25] =	ssyncadd.s32 $0xFFFFE000  }
0x70: {  	_ =	swait.ge [sflag:s25], $0x2000  }
0x71: {  	[sflag:s25] =	ssyncset.done $0x0  }
0x72: {  	[sflag:s25] =	ssyncadd.s32 $0xFFFFE000  }
0x73: {  	_ =	swait.ge [sflag:s25], $0x2000  }
0x74: {  	[sflag:s25] =	ssyncset.done $0x0  }
0x75: {  	[sflag:s25] =	ssyncadd.s32 $0xFFFFE000  }
0x76: {  	_ =	swait.ge [sflag:s25], $0x2000  }
0x77: {  	[sflag:s25] =	ssyncset.done $0x0  }
0x78: {  	[sflag:s25] =	ssyncadd.s32 $0xFFFFE000  }
0x79: {  	_ =	swait.ge [sflag:s25], $0x2000  }
0x7a: {  	[sflag:s25] =	ssyncset.done $0x0  }
0x7b: {  	[sflag:s25] =	ssyncadd.s32 $0xFFFFE000  }
0x7c: {  	_ =	swait.ge [sflag:s25], $0x2000  }
0x7d: {  	[sflag:s25] =	ssyncset.done $0x0  }
0x7e: {  	[sflag:s25] =	ssyncadd.s32 $0xFFFFE000  }
0x7f: {  	_ =	swait.ge [sflag:s25], $0x2000  }
0x80: {  	[sflag:s25] =	ssyncset.done $0x0  }
0x81: {  	[sflag:s25] =	ssyncadd.s32 $0xFFFFE000  }
0x82: {  	_ =	swait.ge [sflag:s25], $0x2000  }
0x83: {  	[sflag:s25] =	ssyncset.done $0x0  }
0x84: {  	[sflag:s25] =	ssyncadd.s32 $0xFFFFE000  }
0x85: {  	_ =	swait.ge [sflag:s25], $0x2000  }
0x86: {  	[sflag:s25] =	ssyncset.done $0x0  }
0x87: {  	[sflag:s25] =	ssyncadd.s32 $0xFFFFE000  }
0x88: {  	_ =	swait.ge [sflag:s25], $0x2000  }
0x89: {  	[sflag:s25] =	ssyncset.done $0x0  }
0x8a: {  	[sflag:s25] =	ssyncadd.s32 $0xFFFFE000  }
0x8b: {  	_ =	swait.ge [sflag:s25], $0x2000  }
0x8c: {  	[sflag:s25] =	ssyncset.done $0x0  }
0x8d: {  	[sflag:s25] =	ssyncadd.s32 $0xFFFFE000  }
0x8e: {  	_ =	swait.ge [sflag:s25], $0x2000  }
0x8f: {  	[sflag:s25] =	ssyncset.done $0x0  }
0x90: {  	s31 =	simm.s32 $0x0;
	[sflag:s25] =	ssyncadd.s32 $0xFFFFE000  }
0x91: {  	v0 =	vld [tilespmem:s31+$0x630]  }
0x92: {  	v1 =	vld [tilespmem:s31+$0x8630]  }
0x93: {  	v3 =	vld [tilespmem:s31+$0x600]  }
0x94: {  	v2 =	vld [tilespmem:s31+$0x10630]  }
0x95: {  	v5 =	vld [tilespmem:s31+$0x8600]  }
0x96: {  	v9 =	vld [tilespmem:s31+$0x610]  }
0x97: {  	v11 =	vld [tilespmem:s31+$0x8610]  }
0x98: {  	v4 =	vld [tilespmem:s31+$0x620];
	v0 =	vadd.f32 v1, v0  }
0x99: {  	v6 =	vld [tilespmem:s31+$0x8620]  }
0x9a: {  	v8 =	vld [tilespmem:s31+$0x10600];
	v0 =	vsub.f32 v0, v2  }
0x9b: {  	v7 =	vld [tilespmem:s31+$0x10610];
	v10 =	vadd.f32 v5, v3  }
0x9c: {  	s30 =	simm.s32 $0x40;
	v11 =	vadd.f32 v11, v9;
	v9 =	vld [tilespmem:s31+$0x10620];
	v2 =	vimm.f32 $0.0e+00;
	v0 =	vand.u32 $0x7FFFFFFF, v0  }
0x9d: {  	v5 =	vld [tilespmem:s30+$0x630];
	s31 =	simm.s32 $0x200;
	v3 =	vimm.f32 $0.0e+00;
	v1 =	vimm.f32 $0.0e+00;
	v0 =	vadd.f32 v0, v2  }
.LBB2_2:
0x9e: {  	p0 =	sne.s32 s31, $0x1FF00;
	v12 =	vld [tilespmem:s30+$0x8630];
	v4 =	vadd.f32 v6, v4  }
0x9f: {  	v13 =	vld [tilespmem:s30+$0x600];
	v6 =	vsub.f32 v10, v8  }
0xa0: {  	v8 =	vld [tilespmem:s30+$0x10630];
	v7 =	vsub.f32 v11, v7  }
0xa1: {  	v10 =	vld [tilespmem:s30+$0x8600];
	v6 =	vand.u32 $0x7FFFFFFF, v6;
	v4 =	vsub.f32 v4, v9  }
0xa2: {  	v9 =	vld [tilespmem:s30+$0x610];
	v2 =	vadd.f32 v6, v2;
	v6 =	vand.u32 $0x7FFFFFFF, v7  }
0xa3: {  	v11 =	vld [tilespmem:s30+$0x8610];
	v5 =	vadd.f32 v12, v5;
	v3 =	vadd.f32 v6, v3;
	v6 =	vand.u32 $0x7FFFFFFF, v4  }
0xa4: {  	v4 =	vld [tilespmem:s30+$0x620];
	v1 =	vadd.f32 v6, v1  }
.Ltmp0:
0xa5: {  	v6 =	vld [tilespmem:s30+$0x8620];
	v5 =	vsub.f32 v5, v8;
	(pc) =	sbr.rel @p0 .LBB2_2-.Ltmp0, $4  }
0xa6: {  	v10 =	vadd.f32 v10, v13;
	v8 =	vld [tilespmem:s30+$0x10600]  }
0xa7: {  	v7 =	vld [tilespmem:s30+$0x10610];
	v5 =	vand.u32 $0x7FFFFFFF, v5  }
0xa8: {  	v11 =	vadd.f32 v11, v9;
	v9 =	vld [tilespmem:s30+$0x10620];
	s30 =	sshra.s32 s31, $0x2;
	v0 =	vadd.f32 v5, v0  }
0xa9: {  	s31 =	sadd.s32 $0x100, s31;
	v5 =	vld [tilespmem:s30+$0x630]  }
0xaa: {  	v12 =	vld [tilespmem:s30+$0x8630]  }
0xab: {  	v13 =	vld [tilespmem:s30+$0x600]  }
0xac: {  	v14 =	vld [tilespmem:s30+$0x10630]  }
0xad: {  	v15 =	vld [tilespmem:s30+$0x8600]  }
0xae: {  	v16 =	vld [tilespmem:s30+$0x610]  }
0xaf: {  	v17 =	vld [tilespmem:s30+$0x8610]  }
0xb0: {  	v18 =	vld [tilespmem:s30+$0x620]  }
0xb1: {  	v19 =	vld [tilespmem:s30+$0x8620]  }
0xb2: {  	v20 =	vld [tilespmem:s30+$0x10600]  }
0xb3: {  	v21 =	vld [tilespmem:s30+$0x10610]  }
0xb4: {  	v22 =	vld [tilespmem:s30+$0x10620];
	s30 =	simm.s32 $0x0;
	s31 =	rddreg [dreg:$0xe]  }
0xb5: {  	[tilespmem:s30], [sflag:$0x2] =	stream.linear.gather [hbm4b:s31+s30], $0x80, $0x38;
	[tilespmem:$0x18610] =	vst v63  }
0xb6: {  	_ =	swait.ge [sflag:s21], $0x80  }
0xb7: {  	[sflag:s21] =	ssyncset.done $0x0  }
0xb8: {  	s31 =	rddreg [dreg:$0xf];
	[sflag:s21] =	ssyncadd.s32 $0xFFFFFF80  }
0xb9: {  	[tilespmem:s1], [sflag:$0x2] =	stream.linear.gather [hbm4b:s31+s30], $0x80, $0x38;
	[tilespmem:$0x18610] =	vst v63  }
0xba: {  	_ =	swait.ge [sflag:s21], $0x80  }
0xbb: {  	[sflag:s21] =	ssyncset.done $0x0  }
0xbc: {  	s31 =	rddreg [dreg:$0x10];
	[sflag:s21] =	ssyncadd.s32 $0xFFFFFF80  }
0xbd: {  	[tilespmem:s2], [sflag:$0x2] =	stream.linear.gather [hbm4b:s31+s30], $0x80, $0x38;
	[tilespmem:$0x18610] =	vst v63  }
0xbe: {  	_ =	swait.ge [sflag:s21], $0x80  }
0xbf: {  	[sflag:s21] =	ssyncset.done $0x0  }
0xc0: {  	s31 =	rddreg [dreg:$0x11];
	[sflag:s21] =	ssyncadd.s32 $0xFFFFFF80  }
0xc1: {  	[tilespmem:s3], [sflag:$0x2] =	stream.linear.gather [hbm4b:s31+s30], $0x80, $0x38;
	[tilespmem:$0x18610] =	vst v63  }
0xc2: {  	_ =	swait.ge [sflag:s21], $0x80  }
0xc3: {  	[sflag:s21] =	ssyncset.done $0x0  }
0xc4: {  	s31 =	rddreg [dreg:$0x12];
	[sflag:s21] =	ssyncadd.s32 $0xFFFFFF80  }
0xc5: {  	[tilespmem:s4], [sflag:$0x2] =	stream.linear.gather [hbm4b:s31+s30], $0x80, $0x38;
	[tilespmem:$0x18610] =	vst v63  }
0xc6: {  	_ =	swait.ge [sflag:s21], $0x80  }
0xc7: {  	[sflag:s21] =	ssyncset.done $0x0  }
0xc8: {  	s31 =	rddreg [dreg:$0x13];
	[sflag:s21] =	ssyncadd.s32 $0xFFFFFF80  }
0xc9: {  	[tilespmem:s5], [sflag:$0x2] =	stream.linear.gather [hbm4b:s31+s30], $0x80, $0x38;
	[tilespmem:$0x18610] =	vst v63  }
0xca: {  	_ =	swait.ge [sflag:s21], $0x80  }
0xcb: {  	[sflag:s21] =	ssyncset.done $0x0  }
0xcc: {  	s31 =	rddreg [dreg:$0x14];
	[sflag:s21] =	ssyncadd.s32 $0xFFFFFF80  }
0xcd: {  	[tilespmem:s6], [sflag:$0x2] =	stream.linear.gather [hbm4b:s31+s30], $0x80, $0x38;
	[tilespmem:$0x18610] =	vst v63  }
0xce: {  	_ =	swait.ge [sflag:s21], $0x80  }
0xcf: {  	[sflag:s21] =	ssyncset.done $0x0  }
0xd0: {  	s31 =	rddreg [dreg:$0x15];
	[sflag:s21] =	ssyncadd.s32 $0xFFFFFF80  }
0xd1: {  	[tilespmem:s7], [sflag:$0x2] =	stream.linear.gather [hbm4b:s31+s30], $0x80, $0x38;
	[tilespmem:$0x18610] =	vst v63  }
0xd2: {  	_ =	swait.ge [sflag:s21], $0x80  }
0xd3: {  	[sflag:s21] =	ssyncset.done $0x0  }
0xd4: {  	s31 =	rddreg [dreg:$0x16];
	[sflag:s21] =	ssyncadd.s32 $0xFFFFFF80  }
0xd5: {  	[tilespmem:s8], [sflag:$0x2] =	stream.linear.gather [hbm4b:s31+s30], $0x80, $0x38;
	[tilespmem:$0x18610] =	vst v63  }
0xd6: {  	_ =	swait.ge [sflag:s21], $0x80  }
0xd7: {  	[sflag:s21] =	ssyncset.done $0x0  }
0xd8: {  	s31 =	rddreg [dreg:$0x17];
	[sflag:s21] =	ssyncadd.s32 $0xFFFFFF80  }
0xd9: {  	[tilespmem:s9], [sflag:$0x2] =	stream.linear.gather [hbm4b:s31+s30], $0x80, $0x38;
	[tilespmem:$0x18610] =	vst v63  }
0xda: {  	_ =	swait.ge [sflag:s21], $0x80  }
0xdb: {  	[sflag:s21] =	ssyncset.done $0x0  }
0xdc: {  	s31 =	rddreg [dreg:$0x18];
	[sflag:s21] =	ssyncadd.s32 $0xFFFFFF80  }
0xdd: {  	[tilespmem:s10], [sflag:$0x2] =	stream.linear.gather [hbm4b:s31+s30], $0x80, $0x38;
	[tilespmem:$0x18610] =	vst v63  }
0xde: {  	_ =	swait.ge [sflag:s21], $0x80  }
0xdf: {  	[sflag:s21] =	ssyncset.done $0x0  }
0xe0: {  	s31 =	rddreg [dreg:$0x19];
	[sflag:s21] =	ssyncadd.s32 $0xFFFFFF80  }
0xe1: {  	[tilespmem:s11], [sflag:$0x2] =	stream.linear.gather [hbm4b:s31+s30], $0x80, $0x38;
	[tilespmem:$0x18610] =	vst v63  }
0xe2: {  	_ =	swait.ge [sflag:s21], $0x80  }
0xe3: {  	[sflag:s21] =	ssyncset.done $0x0  }
0xe4: {  	[sflag:s21] =	ssyncadd.s32 $0xFFFFFF80  }
0xe5: {  	[tilespmem:s12], [sflag:$0x1] =	stream.indirect.gather [hbm4b:s28+s3], $0x40, s30, s3, $0xb8;
	[tilespmem:$0x18610] =	vst v63  }
0xe6: {  	_ = 	snop  }
0xe7: {  	[tilespmem:s13], [sflag:$0x1] =	stream.indirect.gather [hbm4b:s29+s3], $0x40, s1, s3, $0xb8;
	[tilespmem:$0x18610] =	vst v63  }
0xe8: {  	_ = 	snop  }
0xe9: {  	[tilespmem:s14], [sflag:$0x1] =	stream.indirect.gather [hbm4b:s28+s3], $0x40, s2, s3, $0xb8;
	[tilespmem:$0x18610] =	vst v63  }
0xea: {  	_ = 	snop  }
0xeb: {  	[tilespmem:s15], [sflag:$0x1] =	stream.indirect.gather [hbm4b:s28+s3], $0x40, s3, s3, $0xb8;
	[tilespmem:$0x18610] =	vst v63  }
0xec: {  	_ = 	snop  }
0xed: {  	[tilespmem:s16], [sflag:$0x1] =	stream.indirect.gather [hbm4b:s29+s3], $0x40, s4, s3, $0xb8;
	[tilespmem:$0x18610] =	vst v63  }
0xee: {  	_ = 	snop  }
0xef: {  	[tilespmem:s17], [sflag:$0x1] =	stream.indirect.gather [hbm4b:s28+s3], $0x40, s5, s3, $0xb8;
	[tilespmem:$0x18610] =	vst v63  }
0xf0: {  	_ = 	snop  }
0xf1: {  	[tilespmem:s18], [sflag:$0x1] =	stream.indirect.gather [hbm4b:s28+s3], $0x40, s6, s3, $0xb8;
	[tilespmem:$0x18610] =	vst v63  }
0xf2: {  	_ = 	snop  }
0xf3: {  	[tilespmem:s19], [sflag:$0x1] =	stream.indirect.gather [hbm4b:s29+s3], $0x40, s7, s3, $0xb8;
	[tilespmem:$0x18610] =	vst v63  }
0xf4: {  	_ = 	snop  }
0xf5: {  	[tilespmem:s20], [sflag:$0x1] =	stream.indirect.gather [hbm4b:s28+s3], $0x40, s8, s3, $0xb8;
	[tilespmem:$0x18610] =	vst v63  }
0xf6: {  	_ = 	snop  }
0xf7: {  	[tilespmem:s22], [sflag:$0x1] =	stream.indirect.gather [hbm4b:s28+s3], $0x40, s9, s3, $0xb8;
	[tilespmem:$0x18610] =	vst v63  }
0xf8: {  	_ = 	snop  }
0xf9: {  	[tilespmem:s23], [sflag:$0x1] =	stream.indirect.gather [hbm4b:s29+s3], $0x40, s10, s3, $0xb8;
	[tilespmem:$0x18610] =	vst v63  }
0xfa: {  	_ = 	snop  }
0xfb: {  	[tilespmem:s24], [sflag:$0x1] =	stream.indirect.gather [hbm4b:s28+s3], $0x40, s11, s3, $0xb8;
	[tilespmem:$0x18610] =	vst v63  }
0xfc: {  	_ =	swait.ge [sflag:s25], $0x2000  }
0xfd: {  	[sflag:s25] =	ssyncset.done $0x0  }
0xfe: {  	[sflag:s25] =	ssyncadd.s32 $0xFFFFE000  }
0xff: {  	_ =	swait.ge [sflag:s25], $0x2000  }
0x100: {  	[sflag:s25] =	ssyncset.done $0x0  }
0x101: {  	[sflag:s25] =	ssyncadd.s32 $0xFFFFE000  }
0x102: {  	_ =	swait.ge [sflag:s25], $0x2000  }
0x103: {  	[sflag:s25] =	ssyncset.done $0x0  }
0x104: {  	[sflag:s25] =	ssyncadd.s32 $0xFFFFE000  }
0x105: {  	_ =	swait.ge [sflag:s25], $0x2000  }
0x106: {  	[sflag:s25] =	ssyncset.done $0x0  }
0x107: {  	[sflag:s25] =	ssyncadd.s32 $0xFFFFE000  }
0x108: {  	_ =	swait.ge [sflag:s25], $0x2000  }
0x109: {  	[sflag:s25] =	ssyncset.done $0x0  }
0x10a: {  	[sflag:s25] =	ssyncadd.s32 $0xFFFFE000  }
0x10b: {  	_ =	swait.ge [sflag:s25], $0x2000  }
0x10c: {  	[sflag:s25] =	ssyncset.done $0x0  }
0x10d: {  	[sflag:s25] =	ssyncadd.s32 $0xFFFFE000  }
0x10e: {  	_ =	swait.ge [sflag:s25], $0x2000  }
0x10f: {  	[sflag:s25] =	ssyncset.done $0x0  }
0x110: {  	[sflag:s25] =	ssyncadd.s32 $0xFFFFE000  }
0x111: {  	_ =	swait.ge [sflag:s25], $0x2000  }
0x112: {  	[sflag:s25] =	ssyncset.done $0x0  }
0x113: {  	[sflag:s25] =	ssyncadd.s32 $0xFFFFE000  }
0x114: {  	_ =	swait.ge [sflag:s25], $0x2000  }
0x115: {  	[sflag:s25] =	ssyncset.done $0x0  }
0x116: {  	[sflag:s25] =	ssyncadd.s32 $0xFFFFE000  }
0x117: {  	_ =	swait.ge [sflag:s25], $0x2000  }
0x118: {  	[sflag:s25] =	ssyncset.done $0x0  }
0x119: {  	[sflag:s25] =	ssyncadd.s32 $0xFFFFE000  }
0x11a: {  	_ =	swait.ge [sflag:s25], $0x2000  }
0x11b: {  	[sflag:s25] =	ssyncset.done $0x0  }
0x11c: {  	[sflag:s25] =	ssyncadd.s32 $0xFFFFE000  }
0x11d: {  	_ =	swait.ge [sflag:s25], $0x2000  }
0x11e: {  	[sflag:s25] =	ssyncset.done $0x0  }
0x11f: {  	v4 =	vadd.f32 v6, v4;
	v6 =	vsub.f32 v10, v8;
	s31 =	simm.s32 $0x0;
	[sflag:s25] =	ssyncadd.s32 $0xFFFFE000  }
0x120: {  	v7 =	vsub.f32 v11, v7;
	v8 =	vld [tilespmem:s31+$0x630]  }
0x121: {  	v6 =	vand.u32 $0x7FFFFFFF, v6;
	v4 =	vsub.f32 v4, v9;
	v9 =	vld [tilespmem:s31+$0x8630]  }
0x122: {  	v2 =	vadd.f32 v6, v2;
	v6 =	vand.u32 $0x7FFFFFFF, v7;
	v5 =	vadd.f32 v12, v5;
	v7 =	vld [tilespmem:s31+$0x600]  }
0x123: {  	v3 =	vadd.f32 v6, v3;
	v6 =	vadd.f32 v15, v13;
	v10 =	vld [tilespmem:s31+$0x10630]  }
0x124: {  	v11 =	vadd.f32 v17, v16;
	v5 =	vsub.f32 v5, v14;
	v13 =	vld [tilespmem:s31+$0x8600]  }
0x125: {  	v12 =	vadd.f32 v19, v18;
	v4 =	vand.u32 $0x7FFFFFFF, v4;
	v6 =	vsub.f32 v6, v20;
	v15 =	vld [tilespmem:s31+$0x610]  }
0x126: {  	v4 =	vadd.f32 v4, v1;
	v1 =	vand.u32 $0x7FFFFFFF, v5;
	v5 =	vsub.f32 v11, v21;
	v16 =	vld [tilespmem:s31+$0x8610]  }
0x127: {  	v6 =	vand.u32 $0x7FFFFFFF, v6;
	v11 =	vsub.f32 v12, v22;
	v12 =	vadd.f32 v9, v8;
	v8 =	vld [tilespmem:s31+$0x620]  }
0x128: {  	v0 =	vadd.f32 v1, v0;
	v1 =	vadd.f32 v6, v2;
	v9 =	vld [tilespmem:s31+$0x8620]  }
0x129: {  	v2 =	vand.u32 $0x7FFFFFFF, v5;
	v5 =	vand.u32 $0x7FFFFFFF, v11;
	v11 =	vld [tilespmem:s31+$0x10600];
	v6 =	vsub.f32 v12, v10  }
0x12a: {  	v3 =	vadd.f32 v2, v3;
	v2 =	vadd.f32 v5, v4;
	v5 =	vimm.f32 $0.0e+00;
	v12 =	vld [tilespmem:s31+$0x10610]  }
0x12b: {  	s30 =	simm.s32 $0x40;
	v14 =	vadd.f32 v13, v7;
	v15 =	vadd.f32 v16, v15;
	v13 =	vld [tilespmem:s31+$0x10620];
	v4 =	vand.u32 $0x7FFFFFFF, v6  }
0x12c: {  	v7 =	vimm.f32 $0.0e+00;
	v10 =	vld [tilespmem:s30+$0x630];
	s31 =	simm.s32 $0x200;
	v6 =	vimm.f32 $0.0e+00;
	v4 =	vadd.f32 v4, v5  }
.LBB2_4:
0x12d: {  	p0 =	sne.s32 s31, $0x1FF00;
	v16 =	vld [tilespmem:s30+$0x8630];
	v8 =	vadd.f32 v9, v8  }
0x12e: {  	v17 =	vld [tilespmem:s30+$0x600];
	v9 =	vsub.f32 v14, v11  }
0x12f: {  	v11 =	vld [tilespmem:s30+$0x10630];
	v12 =	vsub.f32 v15, v12  }
0x130: {  	v14 =	vld [tilespmem:s30+$0x8600];
	v9 =	vand.u32 $0x7FFFFFFF, v9;
	v8 =	vsub.f32 v8, v13  }
0x131: {  	v13 =	vld [tilespmem:s30+$0x610];
	v5 =	vadd.f32 v9, v5;
	v9 =	vand.u32 $0x7FFFFFFF, v12  }
0x132: {  	v15 =	vld [tilespmem:s30+$0x8610];
	v10 =	vadd.f32 v16, v10;
	v7 =	vadd.f32 v9, v7;
	v9 =	vand.u32 $0x7FFFFFFF, v8  }
0x133: {  	v8 =	vld [tilespmem:s30+$0x620];
	v6 =	vadd.f32 v9, v6  }
.Ltmp1:
0x134: {  	v9 =	vld [tilespmem:s30+$0x8620];
	v10 =	vsub.f32 v10, v11;
	(pc) =	sbr.rel @p0 .LBB2_4-.Ltmp1, $4  }
0x135: {  	v14 =	vadd.f32 v14, v17;
	v11 =	vld [tilespmem:s30+$0x10600]  }
0x136: {  	v12 =	vld [tilespmem:s30+$0x10610];
	v10 =	vand.u32 $0x7FFFFFFF, v10  }
0x137: {  	v15 =	vadd.f32 v15, v13;
	v13 =	vld [tilespmem:s30+$0x10620];
	s30 =	sshra.s32 s31, $0x2;
	v4 =	vadd.f32 v10, v4  }
0x138: {  	s31 =	sadd.s32 $0x100, s31;
	v10 =	vld [tilespmem:s30+$0x630]  }
0x139: {  	v16 =	vld [tilespmem:s30+$0x8630]  }
0x13a: {  	v17 =	vld [tilespmem:s30+$0x600]  }
0x13b: {  	v18 =	vld [tilespmem:s30+$0x8600]  }
0x13c: {  	v19 =	vld [tilespmem:s30+$0x610]  }
0x13d: {  	v20 =	vld [tilespmem:s30+$0x8610]  }
0x13e: {  	v21 =	vld [tilespmem:s30+$0x620]  }
0x13f: {  	v22 =	vld [tilespmem:s30+$0x8620]  }
0x140: {  	v49 =	vld [tilespmem:s30+$0x10600];
	v48 =	vsub.f32 v14, v11  }
0x141: {  	v8 =	vadd.f32 v9, v8;
	v50 =	vld [tilespmem:s30+$0x10610]  }
0x142: {  	v12 =	vsub.f32 v15, v12;
	v9 =	vand.u32 $0x7FFFFFFF, v48  }
0x143: {  	v51 =	vld [tilespmem:s30+$0x10620];
	v8 =	vsub.f32 v8, v13;
	v5 =	vadd.f32 v9, v5  }
0x144: {  	v54 =	vadd.f32 v18, v17;
	v55 =	vadd.f32 v20, v19  }
0x145: {  	v53 =	vld [tilespmem:s30+$0x10630];
	v12 =	vand.u32 $0x7FFFFFFF, v12;
	v52 =	vadd.f32 v16, v10;
	v56 =	vadd.f32 v22, v21  }
0x146: {  	v8 =	vand.u32 $0x7FFFFFFF, v8;
	v11 =	vsub.f32 v54, v49;
	v14 =	vsub.f32 v55, v50  }
0x147: {  	v7 =	vadd.f32 v12, v7;
	v6 =	vadd.f32 v8, v6  }
0x148: {  	v57 =	vsub.f32 v56, v51;
	v58 =	vand.u32 $0x7FFFFFFF, v11;
	v59 =	vand.u32 $0x7FFFFFFF, v14  }
0x149: {  	v5 =	vadd.f32 v58, v5;
	v7 =	vadd.f32 v59, v7  }
0x14a: {  	v1 =	vadd.f32 v3, v1;
	v9 =	vsub.f32 v52, v53;
	v8 =	vand.u32 $0x7FFFFFFF, v57  }
0x14b: {  	v6 =	vadd.f32 v8, v6;
	v61 =	vadd.f32 v7, v5  }
0x14c: {  	v1 =	vadd.f32 v2, v1;
	v60 =	vand.u32 $0x7FFFFFFF, v9  }
0x14d: {  	v4 =	vadd.f32 v60, v4;
	v62 =	vadd.f32 v6, v61;
	_ =	sdelay $0x1  }
0x14e: {  	v0 =	vadd.f32 v0, v1;
	v63 =	vadd.f32 v4, v62;
	_ =	sdelay $0x1  }
0x14f: {  	v0 =	vsub.f32 v63, v0;
	_ =	sdelay $0x1  }
0x150: {  	s30 =	rddreg [dreg:$0x1a];
	s31 =	simm.s32 $0x18600;
	[tilespmem:$0x18600] =	vst v0  }
0x151: {  	[hbm4b:s30+s0] =	stream.linear.scatter [tilespmem:s31], [sflag:$0x2], $0x10, $0x38;
	[tilespmem:$0x18610] =	vst v63  }
0x152: {  	_ =	swait.ge [sflag:s21], $0x10  }
0x153: {  	s26 =	sadd.s32 $0x1, s26;
	s31 =	rddreg [dreg:$0x1b]  }
0x154: {  	p0 =	sne.s32 s26, s31  }
.Ltmp2:
0x155: {  	_ = 	snop;
	(pc) =	sbr.rel @p0 .LBB2_1-.Ltmp2, $3  }
0x156: {  	_ =	sdelay $0x1  }
0x157: {  	[sflag:s21] =	ssyncset.done $0x0  }
0x158: {  	[sflag:s21] =	ssyncadd.s32 $0xFFFFFFF0  }
0x159: {  	_ =	sfence.sel $0x180000  }
0x15a: {  	[bflag:$0x0] =	sbarrier.arrive $0xFFFF  }
0x15b: {  	_ =	strace $0x90000047  }
0x15c: {  	s0 =	stileid.u32;
	[bflag:$0x2] =	sbarrier.arrive $0xFFFF  }
0x15d: {  	p0 =	sne.s32 s0, $0x0;
	s0 =	rddreg [dreg:$0x1]  }
0x15e: {  	s0 =	sadd.s32 @!p0 $0x100000, s0  }
0x15f: {  	[sflag:s0] =	ssyncadd.tile.s32 @!p0 $0x1;
	_ =	shalt  }
.Lfunc_end2:
_tile_overlayer_lowered:
.L_overlay_start_2:
0x160: {  	(tag) =	ssettag $0x2  }
0x161: {  	s0 =	rddreg [dreg:$0x0];
	s2 =	stileid.u32  }
0x162: {  	s1 =	rddreg [dreg:$0x1];
	p0 =	sne.s32 s2, $0x0  }
0x163: {  	s3 =	rddreg [dreg:$0x2];
	[bflag:$0x3] =	sbarrier.arrive $0xFFFF;
	s2 =	simm.s32 @!p0 $0x1C02  }
0x164: {  	[timem:s3], [sflag:s2] =	dma.local @!p0 [hbm:s0], s1  }
0x165: {  	s0 =	simm.s32 @!p0 $0x2  }
0x166: {  	_ =	swait.ge @!p0 [sflag:s0], s1  }
0x167: {  	s1 =	ssub.s32 @!p0 $0x0, s1;
	[sflag:s0] =	ssyncset.done @!p0 $0x0  }
0x168: {  	[sflag:s0] =	ssyncadd.s32 @!p0 s1  }
0x169: {  	[bflag:$0x3] =	sbarrier.arrive $0xFFFF  }
0x16a: {  	_ =	shalt  }

</sc_bundles>
